<compile_context>
chip_gen: v7x
topology: tpu7x:2x2x1
jax: 0.10.2.dev20260603
libtpu: 0.0.44.dev20260713+nightly
codegen_flags: <defaults>
</compile_context>

<pallas_src>
import math

import jax
import jax.numpy as jnp
from jax.experimental import pallas as pl
from jax.experimental.pallas import tpu as pltpu

N = 4096
H = 256
W = 256

_TS = 16
_GT = 16
_NBR = 7
_C = 128
_NP = 256
_PADN = N + _GT * _GT * 7 + _C


def _raster_tile(starts_ref, ends_ref, params_ref, out_ref):
    ti = pl.program_id(0)
    tj = pl.program_id(1)
    t = ti * _GT + tj
    cx0 = (tj * _TS).astype(jnp.float32) + 8.0
    cy0 = (ti * _TS).astype(jnp.float32) + 8.0

    q = jax.lax.broadcasted_iota(jnp.int32, (_NP, 1), 0)
    xl = (q & (_TS - 1)).astype(jnp.float32) - 7.5
    yl = (q >> 4).astype(jnp.float32) - 7.5
    Q = jnp.concatenate(
        [xl * xl, xl, yl * yl, yl, xl * yl, jnp.ones_like(xl)],
        axis=1)
    lane_base = jax.lax.broadcasted_iota(jnp.int32, (1, _C), 1)

    def seg_contrib(acc, s, e):
        nch = (e - s + _C - 1) // _C

        def body(ci, acc):
            off = pl.multiple_of(s + ci * _C, 8)
            blk = params_ref[pl.ds(off, _C), :].T
            xr = blk[0:1, :] - cx0
            yr = blk[1:2, :] - cy0
            cA = blk[2:3, :]
            cB = blk[3:4, :]
            cC = blk[4:5, :]
            G = jnp.concatenate(
                [0.5 * cA,
                 -(cA * xr + cB * yr),
                 0.5 * cC,
                 -(cC * yr + cB * xr),
                 cB,
                 0.5 * cA * xr * xr + 0.5 * cC * yr * yr + cB * xr * yr],
                axis=0)
            sigma = jax.lax.dot_general(
                Q, G, (((1,), (0,)), ((), ())),
                preferred_element_type=jnp.float32)
            vals = jnp.where(sigma >= 0.0, jnp.exp(-sigma), 0.0)
            feat = jnp.where(lane_base + off < e, blk[5:8, :], 0.0)
            return acc + jax.lax.dot_general(
                feat, vals, (((1,), (1,)), ((), ())),
                preferred_element_type=jnp.float32)

        return jax.lax.fori_loop(0, nch, body, acc)

    acc = jnp.zeros((3, _NP), jnp.float32)
    for k in range(_NBR):
        acc = seg_contrib(acc, starts_ref[t, k], ends_ref[t, k])
    out_ref[...] = jnp.clip(acc, 0.0, 1.0).reshape(1, 1, 3, _TS, _TS)


def kernel(xyz, scaling, rotation, features, opacity):
    xc = 0.5 * (xyz[:, 0] + 1.0) * W
    yc = 0.5 * (xyz[:, 1] + 1.0) * H
    s = jnp.abs(scaling)
    theta = jax.nn.sigmoid(rotation[:, 0]) * (2.0 * math.pi)
    c = jnp.cos(theta)
    sn = jnp.sin(theta)
    sx2 = s[:, 0] ** 2
    sy2 = s[:, 1] ** 2
    Sxx = c * c * sx2 + sn * sn * sy2
    Sxy = c * sn * (sx2 - sy2)
    Syy = sn * sn * sx2 + c * c * sy2
    det = Sxx * Syy - Sxy * Sxy
    inv = 1.0 / (det + 1e-12)
    cA = Syy * inv
    cB = -Sxy * inv
    cC = Sxx * inv
    wf = features * opacity

    bx = jnp.clip((xc * (1.0 / _TS)).astype(jnp.int32), 0, _GT - 1)
    by = jnp.clip((yc * (1.0 / _TS)).astype(jnp.int32), 0, _GT - 1)
    bins = by * _GT + bx
    order = jnp.argsort(bins)
    sorted_bins = bins[order]
    starts = jnp.searchsorted(
        sorted_bins, jnp.arange(_GT * _GT + 1, dtype=jnp.int32)
    ).astype(jnp.int32)
    counts = starts[1:] - starts[:-1]
    pcounts = ((counts + 7) // 8) * 8
    pstarts = jnp.concatenate(
        [jnp.zeros((1,), jnp.int32), jnp.cumsum(pcounts, dtype=jnp.int32)])

    params = jnp.stack(
        [xc, yc, cA, cB, cC, wf[:, 0], wf[:, 1], wf[:, 2]], axis=1)
    pos = pstarts[sorted_bins] + (
        jnp.arange(N, dtype=jnp.int32) - starts[sorted_bins])
    padded = jnp.zeros((_PADN, 8), jnp.float32).at[pos].set(params[order])

    ti = jnp.arange(_GT, dtype=jnp.int32)
    rows = ti[:, None] + jnp.arange(-3, 4, dtype=jnp.int32)[None, :]
    valid = (rows >= 0) & (rows < _GT)
    rows_c = jnp.clip(rows, 0, _GT - 1)
    c0 = jnp.clip(ti - 3, 0, _GT - 1)
    c1 = jnp.clip(ti + 3, 0, _GT - 1)
    seg_s = pstarts[rows_c[:, None, :] * _GT + c0[None, :, None]]
    seg_e = pstarts[rows_c[:, None, :] * _GT + c1[None, :, None] + 1]
    valid3 = jnp.broadcast_to(valid[:, None, :], (_GT, _GT, _NBR))
    seg_s = jnp.where(valid3, seg_s, 0).reshape(_GT * _GT, _NBR)
    seg_e = jnp.where(valid3, seg_e, 0).reshape(_GT * _GT, _NBR)

    grid_spec = pltpu.PrefetchScalarGridSpec(
        num_scalar_prefetch=2,
        grid=(_GT, _GT),
        in_specs=[pl.BlockSpec((_PADN, 8), lambda i, j, *_: (0, 0))],
        out_specs=pl.BlockSpec((1, 1, 3, _TS, _TS),
                               lambda i, j, *_: (i, j, 0, 0, 0)),
    )
    img = pl.pallas_call(
        _raster_tile,
        grid_spec=grid_spec,
        out_shape=jax.ShapeDtypeStruct((_GT, _GT, 3, _TS, _TS), jnp.float32),
    )(seg_s, seg_e, padded)
    return img.transpose(2, 0, 3, 1, 4).reshape(1, 3, H, W)

# --- scband reference (transcript-rebuilt; emitter-appended) ---
"""Pipeline reference for scband-smart-splat-30751965839963 (READ-ONLY COPY).

The authoritative reference and input builder live on the scoring server;
editing this copy changes nothing except your own understanding.
"""

import jax, jax.numpy as jnp
import numpy as np
import math

N = 4096
H = 256
W = 256


def setup_inputs(seed: int = 0) -> dict:
    key = jax.random.key(seed)
    k0, k1, k2, k3 = jax.random.split(key, 4)
    xyz = jax.random.uniform(k0, (N, 2), minval=-1.0, maxval=1.0, dtype=jnp.float32)
    scaling = jax.random.uniform(k1, (N, 2), minval=0.5, maxval=8.0, dtype=jnp.float32)
    rotation = jax.random.normal(k2, (N, 1), dtype=jnp.float32)
    features = jax.random.uniform(k3, (N, 3), dtype=jnp.float32)
    opacity = jnp.ones((N, 1), dtype=jnp.float32)
    return {"xyz": xyz, "scaling": scaling, "rotation": rotation,
            "features": features, "opacity": opacity}


def _forward(xyz, scaling, rotation, features, opacity):
    # project_gaussians_2d_scale_rot: map normalized [-1,1] coords to pixel space
    xys = 0.5 * (xyz + 1.0) * jnp.array([W, H], dtype=jnp.float32)
    s = jnp.abs(scaling)                      # get_scaling
    theta = jax.nn.sigmoid(rotation[:, 0]) * 2.0 * math.pi  # get_rotation
    c = jnp.cos(theta)
    sn = jnp.sin(theta)
    sx2 = s[:, 0] ** 2
    sy2 = s[:, 1] ** 2
    # Sigma = R diag(sx^2, sy^2) R^T
    Sxx = c * c * sx2 + sn * sn * sy2
    Sxy = c * sn * (sx2 - sy2)
    Syy = sn * sn * sx2 + c * c * sy2
    det = Sxx * Syy - Sxy * Sxy
    inv = 1.0 / (det + 1e-12)
    cA = Syy * inv   # conic xx
    cB = -Sxy * inv  # conic xy
    cC = Sxx * inv   # conic yy
    w = opacity[:, 0]
    px = jnp.arange(W, dtype=jnp.float32) + 0.5
    py = jnp.arange(H, dtype=jnp.float32) + 0.5
    rows_per_chunk = 16
    row_chunks = py.reshape(H // rows_per_chunk, rows_per_chunk)

    def render_chunk(py_c):
        gy, gx = jnp.meshgrid(py_c, px, indexing='ij')
        pxs = gx.ravel()  # (P,)
        pys = gy.ravel()
        dx = pxs[:, None] - xys[:, 0][None, :]   # (P, N)
        dy = pys[:, None] - xys[:, 1][None, :]
        sigma = 0.5 * (cA[None, :] * dx * dx + cC[None, :] * dy * dy) + cB[None, :] * dx * dy
        vals = jnp.where(sigma >= 0.0, jnp.exp(-sigma), 0.0)
        return (vals * w[None, :]) @ features  # (P, 3)

    img = jax.lax.map(render_chunk, row_chunks)  # (chunks, P, 3)
    img = img.reshape(H * W, 3)
    img = jnp.clip(img, 0.0, 1.0)
    out = img.reshape(1, H, W, 3).transpose(0, 3, 1, 2)  # NCHW, contiguous
    return out


def reference(xyz, scaling, rotation, features, opacity):
    return _forward(xyz, scaling, rotation, features, opacity)

if __name__ == "__main__":
    import jax
    _d = setup_inputs()
    print(jax.jit(kernel)(*tuple(_d.values())))

</pallas_src>

<mosaic_0001>
module attributes {stable_mosaic.version = 14 : i64} {
  func.func @_raster_tile(%arg0: i32, %arg1: i32, %arg2: memref<256x7xi32, #tpu.memory_space<smem>>, %arg3: memref<256x7xi32, #tpu.memory_space<smem>>, %arg4: memref<6016x8xf32, #tpu.memory_space<vmem>>, %arg5: memref<1x1x3x16x16xf32, #tpu.memory_space<vmem>>) attributes {dimension_semantics = [#tpu.dimension_semantics<arbitrary>, #tpu.dimension_semantics<arbitrary>], iteration_bounds = array<i64: 16, 16>, scalar_prefetch = 2 : i64, scratch_operands = 0 : i64, tpu.core_type = #tpu.core_type<tc>, window_params = [{pipeline_mode = #tpu.pipeline_mode<synchronous>, transform_indices = @transform_0, window_bounds = array<i64: 6016, 8>}, {transform_indices = @transform_1, window_bounds = array<i64: 1, 1, 3, 16, 16>}]} {
    %mul3A = arith.constant 16 : i32
    %mul3A_0 = arith.muli %arg0, %mul3A : i32
    %add3A = arith.addi %mul3A_0, %arg1 : i32
    %mul3A_1 = arith.constant 16 : i32
    %mul3A_2 = arith.muli %arg1, %mul3A_1 : i32
    %convert_element_type3A = arith.sitofp %mul3A_2 : i32 to f32
    %add3A_3 = arith.constant 8.000000e+00 : f32
    %add3A_4 = arith.addf %convert_element_type3A, %add3A_3 : f32
    %mul3A_5 = arith.constant 16 : i32
    %mul3A_6 = arith.muli %arg0, %mul3A_5 : i32
    %convert_element_type3A_7 = arith.sitofp %mul3A_6 : i32 to f32
    %add3A_8 = arith.constant 8.000000e+00 : f32
    %add3A_9 = arith.addf %convert_element_type3A_7, %add3A_8 : f32
    %iota3A = tpu.iota {dimensions = array<i32: 0>} : vector<256x1xi32>
    %and3A = arith.constant 15 : i32
    %and3A_10 = vector.broadcast %and3A : i32 to vector<256x1xi32>
    %and3A_11 = arith.andi %iota3A, %and3A_10 : vector<256x1xi32>
    %convert_element_type3A_12 = arith.sitofp %and3A_11 : vector<256x1xi32> to vector<256x1xf32>
    %sub3A = arith.constant 7.500000e+00 : f32
    %sub3A_13 = vector.broadcast %sub3A : f32 to vector<256x1xf32>
    %sub3A_14 = arith.subf %convert_element_type3A_12, %sub3A_13 : vector<256x1xf32>
    %shift_right_arithmetic3A = arith.constant 4 : i32
    %shift_right_arithmetic3A_15 = vector.broadcast %shift_right_arithmetic3A : i32 to vector<256x1xi32>
    %shift_right_arithmetic3A_16 = arith.shrsi %iota3A, %shift_right_arithmetic3A_15 : vector<256x1xi32>
    %convert_element_type3A_17 = arith.sitofp %shift_right_arithmetic3A_16 : vector<256x1xi32> to vector<256x1xf32>
    %sub3A_18 = arith.constant 7.500000e+00 : f32
    %sub3A_19 = vector.broadcast %sub3A_18 : f32 to vector<256x1xf32>
    %sub3A_20 = arith.subf %convert_element_type3A_17, %sub3A_19 : vector<256x1xf32>
    %mul3A_21 = arith.mulf %sub3A_14, %sub3A_14 : vector<256x1xf32>
    %mul3A_22 = arith.mulf %sub3A_20, %sub3A_20 : vector<256x1xf32>
    %mul3A_23 = arith.mulf %sub3A_14, %sub3A_20 : vector<256x1xf32>
    %broadcast_in_dim3A = arith.constant 1.000000e+00 : f32
    %broadcast_in_dim3A_24 = vector.broadcast %broadcast_in_dim3A : f32 to vector<256x1xf32>
    %concatenate3A = tpu.concatenate %mul3A_21, %sub3A_14, %mul3A_22, %sub3A_20, %mul3A_23, %broadcast_in_dim3A_24 in 1 : vector<256x1xf32>, vector<256x1xf32>, vector<256x1xf32>, vector<256x1xf32>, vector<256x1xf32>, vector<256x1xf32> -> vector<256x6xf32>
    %iota3A_25 = tpu.iota {dimensions = array<i32: 1>} : vector<1x128xi32>
    %broadcast_in_dim3A_26 = arith.constant 0.000000e+00 : f32
    %broadcast_in_dim3A_27 = vector.broadcast %broadcast_in_dim3A_26 : f32 to vector<3x256xf32>
    %get3A = arith.index_cast %add3A : i32 to index
    %get3A_28 = arith.constant 0 : index
    %get3A_29 = memref.load %arg2[%get3A, %get3A_28] : memref<256x7xi32, #tpu.memory_space<smem>>
    %get3A_30 = arith.index_cast %add3A : i32 to index
    %get3A_31 = arith.constant 0 : index
    %get3A_32 = memref.load %arg3[%get3A_30, %get3A_31] : memref<256x7xi32, #tpu.memory_space<smem>>
    %sub3A_33 = arith.subi %get3A_32, %get3A_29 : i32
    %add3A_34 = arith.constant 128 : i32
    %add3A_35 = arith.addi %sub3A_33, %add3A_34 : i32
    %sub3A_36 = arith.constant 1 : i32
    %sub3A_37 = arith.subi %add3A_35, %sub3A_36 : i32
    %jit3A = arith.constant 128 : i32
    %div3A = arith.divsi %sub3A_37, %jit3A : i32
    %sign3A = arith.constant 0 : i32
    %sign3A_38 = arith.cmpi sgt, %sub3A_37, %sign3A : i32
    %sign3A_39 = arith.extui %sign3A_38 : i1 to i32
    %sign3A_40 = arith.constant 0 : i32
    %sign3A_41 = arith.cmpi slt, %sub3A_37, %sign3A_40 : i32
    %sign3A_42 = arith.extui %sign3A_41 : i1 to i32
    %sign3A_43 = arith.subi %sign3A_39, %sign3A_42 : i32
    %sign3A_44 = arith.constant 0 : i32
    %sign3A_45 = arith.cmpi sgt, %jit3A, %sign3A_44 : i32
    %sign3A_46 = arith.extui %sign3A_45 : i1 to i32
    %sign3A_47 = arith.constant 0 : i32
    %sign3A_48 = arith.cmpi slt, %jit3A, %sign3A_47 : i32
    %sign3A_49 = arith.extui %sign3A_48 : i1 to i32
    %sign3A_50 = arith.subi %sign3A_46, %sign3A_49 : i32
    %ne3A = arith.cmpi ne, %sign3A_43, %sign3A_50 : i32
    %rem3A = arith.remsi %sub3A_37, %jit3A : i32
    %ne3A_51 = arith.constant 0 : i32
    %ne3A_52 = arith.cmpi ne, %rem3A, %ne3A_51 : i32
    %and3A_53 = arith.andi %ne3A, %ne3A_52 : i1
    %sub3A_54 = arith.constant 1 : i32
    %sub3A_55 = arith.subi %div3A, %sub3A_54 : i32
    %select_n3A = arith.select %and3A_53, %sub3A_55, %div3A : i32
    %while3A = arith.constant 0 : i32
    %while3A_56 = arith.subi %select_n3A, %while3A : i32
    %while3A_57 = arith.addi %while3A, %while3A_56 : i32
    %while3A_58 = arith.constant 1 : i32
    %while3A_59 = arith.divsi %while3A_56, %while3A_58 : i32
    %while3A_60 = arith.muli %while3A_59, %while3A_58 : i32
    %while3A_61 = arith.addi %while3A, %while3A_60 : i32
    %while3A_62 = arith.constant 1 : i32
    %while3A_63 = scf.for %while3A_351 = %while3A to %while3A_61 step %while3A_62 iter_args(%while3A_352 = %broadcast_in_dim3A_27) -> (vector<3x256xf32>)  : i32 {
      %mul3A_353 = arith.constant 128 : i32
      %mul3A_354 = arith.muli %while3A_351, %mul3A_353 : i32
      %add3A_355 = arith.addi %get3A_29, %mul3A_354 : i32
      %multiple_of3A = tpu.assume_multiple %add3A_355, 8 : i32
      %get3A_356 = arith.index_cast %multiple_of3A : i32 to index
      %get3A_357 = arith.constant 0 : index
      %get3A_358 = vector.load %arg4[%get3A_356, %get3A_357] : memref<6016x8xf32, #tpu.memory_space<vmem>>, vector<128x8xf32>
      %transpose3A = tpu.transpose %get3A_358, [1, 0] : vector<128x8xf32> -> vector<8x128xf32>
      %slice3A = vector.extract_strided_slice %transpose3A {offsets = [0, 0], sizes = [1, 128], strides = [1, 1]} : vector<8x128xf32> to vector<1x128xf32>
      %sub3A_359 = vector.broadcast %add3A_4 : f32 to vector<1x128xf32>
      %sub3A_360 = arith.subf %slice3A, %sub3A_359 : vector<1x128xf32>
      %slice3A_361 = vector.extract_strided_slice %transpose3A {offsets = [1, 0], sizes = [1, 128], strides = [1, 1]} : vector<8x128xf32> to vector<1x128xf32>
      %sub3A_362 = vector.broadcast %add3A_9 : f32 to vector<1x128xf32>
      %sub3A_363 = arith.subf %slice3A_361, %sub3A_362 : vector<1x128xf32>
      %slice3A_364 = vector.extract_strided_slice %transpose3A {offsets = [2, 0], sizes = [1, 128], strides = [1, 1]} : vector<8x128xf32> to vector<1x128xf32>
      %slice3A_365 = vector.extract_strided_slice %transpose3A {offsets = [3, 0], sizes = [1, 128], strides = [1, 1]} : vector<8x128xf32> to vector<1x128xf32>
      %slice3A_366 = vector.extract_strided_slice %transpose3A {offsets = [4, 0], sizes = [1, 128], strides = [1, 1]} : vector<8x128xf32> to vector<1x128xf32>
      %mul3A_367 = arith.constant 5.000000e-01 : f32
      %mul3A_368 = vector.broadcast %mul3A_367 : f32 to vector<1x128xf32>
      %mul3A_369 = arith.mulf %mul3A_368, %slice3A_364 : vector<1x128xf32>
      %mul3A_370 = arith.mulf %slice3A_364, %sub3A_360 : vector<1x128xf32>
      %mul3A_371 = arith.mulf %slice3A_365, %sub3A_363 : vector<1x128xf32>
      %add3A_372 = arith.addf %mul3A_370, %mul3A_371 : vector<1x128xf32>
      %neg3A = arith.constant 0.000000e+00 : f32
      %neg3A_373 = vector.broadcast %neg3A : f32 to vector<1x128xf32>
      %neg3A_374 = arith.subf %neg3A_373, %add3A_372 : vector<1x128xf32>
      %mul3A_375 = arith.constant 5.000000e-01 : f32
      %mul3A_376 = vector.broadcast %mul3A_375 : f32 to vector<1x128xf32>
      %mul3A_377 = arith.mulf %mul3A_376, %slice3A_366 : vector<1x128xf32>
      %mul3A_378 = arith.mulf %slice3A_366, %sub3A_363 : vector<1x128xf32>
      %mul3A_379 = arith.mulf %slice3A_365, %sub3A_360 : vector<1x128xf32>
      %add3A_380 = arith.addf %mul3A_378, %mul3A_379 : vector<1x128xf32>
      %neg3A_381 = arith.constant 0.000000e+00 : f32
      %neg3A_382 = vector.broadcast %neg3A_381 : f32 to vector<1x128xf32>
      %neg3A_383 = arith.subf %neg3A_382, %add3A_380 : vector<1x128xf32>
      %mul3A_384 = arith.constant 5.000000e-01 : f32
      %mul3A_385 = vector.broadcast %mul3A_384 : f32 to vector<1x128xf32>
      %mul3A_386 = arith.mulf %mul3A_385, %slice3A_364 : vector<1x128xf32>
      %mul3A_387 = arith.mulf %mul3A_386, %sub3A_360 : vector<1x128xf32>
      %mul3A_388 = arith.mulf %mul3A_387, %sub3A_360 : vector<1x128xf32>
      %mul3A_389 = arith.constant 5.000000e-01 : f32
      %mul3A_390 = vector.broadcast %mul3A_389 : f32 to vector<1x128xf32>
      %mul3A_391 = arith.mulf %mul3A_390, %slice3A_366 : vector<1x128xf32>
      %mul3A_392 = arith.mulf %mul3A_391, %sub3A_363 : vector<1x128xf32>
      %mul3A_393 = arith.mulf %mul3A_392, %sub3A_363 : vector<1x128xf32>
      %add3A_394 = arith.addf %mul3A_388, %mul3A_393 : vector<1x128xf32>
      %mul3A_395 = arith.mulf %slice3A_365, %sub3A_360 : vector<1x128xf32>
      %mul3A_396 = arith.mulf %mul3A_395, %sub3A_363 : vector<1x128xf32>
      %add3A_397 = arith.addf %add3A_394, %mul3A_396 : vector<1x128xf32>
      %concatenate3A_398 = tpu.concatenate %mul3A_369, %neg3A_374, %mul3A_377, %neg3A_383, %slice3A_365, %add3A_397 in 0 : vector<1x128xf32>, vector<1x128xf32>, vector<1x128xf32>, vector<1x128xf32>, vector<1x128xf32>, vector<1x128xf32> -> vector<6x128xf32>
      %dot_general3A = arith.constant dense<0.000000e+00> : vector<256x128xf32>
      %dot_general3A_399 = tpu.matmul %concatenate3A, %concatenate3A_398, %dot_general3A {dimension_numbers = #tpu.dot_dimension_numbers<[1], [0], [0], [1], [0, 0, 1, 1], [], []>, transpose_lhs_hint = false} : vector<256x6xf32>, vector<6x128xf32>, vector<256x128xf32> -> vector<256x128xf32>
      %ge3A = arith.constant 0.000000e+00 : f32
      %ge3A_400 = vector.broadcast %ge3A : f32 to vector<256x128xf32>
      %ge3A_401 = arith.cmpf oge, %dot_general3A_399, %ge3A_400 : vector<256x128xf32>
      %neg3A_402 = arith.constant 0.000000e+00 : f32
      %neg3A_403 = vector.broadcast %neg3A_402 : f32 to vector<256x128xf32>
      %neg3A_404 = arith.subf %neg3A_403, %dot_general3A_399 : vector<256x128xf32>
      %exp3A = math.exp %neg3A_404 : vector<256x128xf32>
      %jit3A_405 = arith.constant 0.000000e+00 : f32
      %broadcast_in_dim3A_406 = vector.broadcast %jit3A_405 : f32 to vector<256x128xf32>
      %select_n3A_407 = arith.select %ge3A_401, %exp3A, %broadcast_in_dim3A_406 : vector<256x128xi1>, vector<256x128xf32>
      %add3A_408 = vector.broadcast %multiple_of3A : i32 to vector<1x128xi32>
      %add3A_409 = arith.addi %iota3A_25, %add3A_408 : vector<1x128xi32>
      %lt3A = vector.broadcast %get3A_32 : i32 to vector<1x128xi32>
      %lt3A_410 = arith.cmpi slt, %add3A_409, %lt3A : vector<1x128xi32>
      %slice3A_411 = vector.extract_strided_slice %transpose3A {offsets = [5, 0], sizes = [3, 128], strides = [1, 1]} : vector<8x128xf32> to vector<3x128xf32>
      %jit3A_412 = arith.constant 0.000000e+00 : f32
      %broadcast_in_dim3A_413 = vector.shape_cast %lt3A_410 : vector<1x128xi1> to vector<1x128xi1>
      %broadcast_in_dim3A_414 = vector.broadcast %broadcast_in_dim3A_413 : vector<1x128xi1> to vector<3x128xi1>
      %broadcast_in_dim3A_415 = vector.broadcast %jit3A_412 : f32 to vector<3x128xf32>
      %select_n3A_416 = arith.select %broadcast_in_dim3A_414, %slice3A_411, %broadcast_in_dim3A_415 : vector<3x128xi1>, vector<3x128xf32>
      %dot_general3A_417 = arith.constant dense<0.000000e+00> : vector<3x256xf32>
      %dot_general3A_418 = tpu.matmul %select_n3A_416, %select_n3A_407, %dot_general3A_417 {dimension_numbers = #tpu.dot_dimension_numbers<[1], [1], [0], [0], [0, 0, 1, 0], [], []>, transpose_lhs_hint = false} : vector<3x128xf32>, vector<256x128xf32>, vector<3x256xf32> -> vector<3x256xf32>
      %add3A_419 = arith.addf %while3A_352, %dot_general3A_418 : vector<3x256xf32>
      scf.yield %add3A_419 : vector<3x256xf32>
    }
    %while3A_64 = arith.constant 1 : i32
    %while3A_65 = scf.for %while3A_351 = %while3A_61 to %while3A_57 step %while3A_64 iter_args(%while3A_352 = %while3A_63) -> (vector<3x256xf32>)  : i32 {
      %mul3A_353 = arith.constant 128 : i32
      %mul3A_354 = arith.muli %while3A_351, %mul3A_353 : i32
      %add3A_355 = arith.addi %get3A_29, %mul3A_354 : i32
      %multiple_of3A = tpu.assume_multiple %add3A_355, 8 : i32
      %get3A_356 = arith.index_cast %multiple_of3A : i32 to index
      %get3A_357 = arith.constant 0 : index
      %get3A_358 = vector.load %arg4[%get3A_356, %get3A_357] : memref<6016x8xf32, #tpu.memory_space<vmem>>, vector<128x8xf32>
      %transpose3A = tpu.transpose %get3A_358, [1, 0] : vector<128x8xf32> -> vector<8x128xf32>
      %slice3A = vector.extract_strided_slice %transpose3A {offsets = [0, 0], sizes = [1, 128], strides = [1, 1]} : vector<8x128xf32> to vector<1x128xf32>
      %sub3A_359 = vector.broadcast %add3A_4 : f32 to vector<1x128xf32>
      %sub3A_360 = arith.subf %slice3A, %sub3A_359 : vector<1x128xf32>
      %slice3A_361 = vector.extract_strided_slice %transpose3A {offsets = [1, 0], sizes = [1, 128], strides = [1, 1]} : vector<8x128xf32> to vector<1x128xf32>
      %sub3A_362 = vector.broadcast %add3A_9 : f32 to vector<1x128xf32>
      %sub3A_363 = arith.subf %slice3A_361, %sub3A_362 : vector<1x128xf32>
      %slice3A_364 = vector.extract_strided_slice %transpose3A {offsets = [2, 0], sizes = [1, 128], strides = [1, 1]} : vector<8x128xf32> to vector<1x128xf32>
      %slice3A_365 = vector.extract_strided_slice %transpose3A {offsets = [3, 0], sizes = [1, 128], strides = [1, 1]} : vector<8x128xf32> to vector<1x128xf32>
      %slice3A_366 = vector.extract_strided_slice %transpose3A {offsets = [4, 0], sizes = [1, 128], strides = [1, 1]} : vector<8x128xf32> to vector<1x128xf32>
      %mul3A_367 = arith.constant 5.000000e-01 : f32
      %mul3A_368 = vector.broadcast %mul3A_367 : f32 to vector<1x128xf32>
      %mul3A_369 = arith.mulf %mul3A_368, %slice3A_364 : vector<1x128xf32>
      %mul3A_370 = arith.mulf %slice3A_364, %sub3A_360 : vector<1x128xf32>
      %mul3A_371 = arith.mulf %slice3A_365, %sub3A_363 : vector<1x128xf32>
      %add3A_372 = arith.addf %mul3A_370, %mul3A_371 : vector<1x128xf32>
      %neg3A = arith.constant 0.000000e+00 : f32
      %neg3A_373 = vector.broadcast %neg3A : f32 to vector<1x128xf32>
      %neg3A_374 = arith.subf %neg3A_373, %add3A_372 : vector<1x128xf32>
      %mul3A_375 = arith.constant 5.000000e-01 : f32
      %mul3A_376 = vector.broadcast %mul3A_375 : f32 to vector<1x128xf32>
      %mul3A_377 = arith.mulf %mul3A_376, %slice3A_366 : vector<1x128xf32>
      %mul3A_378 = arith.mulf %slice3A_366, %sub3A_363 : vector<1x128xf32>
      %mul3A_379 = arith.mulf %slice3A_365, %sub3A_360 : vector<1x128xf32>
      %add3A_380 = arith.addf %mul3A_378, %mul3A_379 : vector<1x128xf32>
      %neg3A_381 = arith.constant 0.000000e+00 : f32
      %neg3A_382 = vector.broadcast %neg3A_381 : f32 to vector<1x128xf32>
      %neg3A_383 = arith.subf %neg3A_382, %add3A_380 : vector<1x128xf32>
      %mul3A_384 = arith.constant 5.000000e-01 : f32
      %mul3A_385 = vector.broadcast %mul3A_384 : f32 to vector<1x128xf32>
      %mul3A_386 = arith.mulf %mul3A_385, %slice3A_364 : vector<1x128xf32>
      %mul3A_387 = arith.mulf %mul3A_386, %sub3A_360 : vector<1x128xf32>
      %mul3A_388 = arith.mulf %mul3A_387, %sub3A_360 : vector<1x128xf32>
      %mul3A_389 = arith.constant 5.000000e-01 : f32
      %mul3A_390 = vector.broadcast %mul3A_389 : f32 to vector<1x128xf32>
      %mul3A_391 = arith.mulf %mul3A_390, %slice3A_366 : vector<1x128xf32>
      %mul3A_392 = arith.mulf %mul3A_391, %sub3A_363 : vector<1x128xf32>
      %mul3A_393 = arith.mulf %mul3A_392, %sub3A_363 : vector<1x128xf32>
      %add3A_394 = arith.addf %mul3A_388, %mul3A_393 : vector<1x128xf32>
      %mul3A_395 = arith.mulf %slice3A_365, %sub3A_360 : vector<1x128xf32>
      %mul3A_396 = arith.mulf %mul3A_395, %sub3A_363 : vector<1x128xf32>
      %add3A_397 = arith.addf %add3A_394, %mul3A_396 : vector<1x128xf32>
      %concatenate3A_398 = tpu.concatenate %mul3A_369, %neg3A_374, %mul3A_377, %neg3A_383, %slice3A_365, %add3A_397 in 0 : vector<1x128xf32>, vector<1x128xf32>, vector<1x128xf32>, vector<1x128xf32>, vector<1x128xf32>, vector<1x128xf32> -> vector<6x128xf32>
      %dot_general3A = arith.constant dense<0.000000e+00> : vector<256x128xf32>
      %dot_general3A_399 = tpu.matmul %concatenate3A, %concatenate3A_398, %dot_general3A {dimension_numbers = #tpu.dot_dimension_numbers<[1], [0], [0], [1], [0, 0, 1, 1], [], []>, transpose_lhs_hint = false} : vector<256x6xf32>, vector<6x128xf32>, vector<256x128xf32> -> vector<256x128xf32>
      %ge3A = arith.constant 0.000000e+00 : f32
      %ge3A_400 = vector.broadcast %ge3A : f32 to vector<256x128xf32>
      %ge3A_401 = arith.cmpf oge, %dot_general3A_399, %ge3A_400 : vector<256x128xf32>
      %neg3A_402 = arith.constant 0.000000e+00 : f32
      %neg3A_403 = vector.broadcast %neg3A_402 : f32 to vector<256x128xf32>
      %neg3A_404 = arith.subf %neg3A_403, %dot_general3A_399 : vector<256x128xf32>
      %exp3A = math.exp %neg3A_404 : vector<256x128xf32>
      %jit3A_405 = arith.constant 0.000000e+00 : f32
      %broadcast_in_dim3A_406 = vector.broadcast %jit3A_405 : f32 to vector<256x128xf32>
      %select_n3A_407 = arith.select %ge3A_401, %exp3A, %broadcast_in_dim3A_406 : vector<256x128xi1>, vector<256x128xf32>
      %add3A_408 = vector.broadcast %multiple_of3A : i32 to vector<1x128xi32>
      %add3A_409 = arith.addi %iota3A_25, %add3A_408 : vector<1x128xi32>
      %lt3A = vector.broadcast %get3A_32 : i32 to vector<1x128xi32>
      %lt3A_410 = arith.cmpi slt, %add3A_409, %lt3A : vector<1x128xi32>
      %slice3A_411 = vector.extract_strided_slice %transpose3A {offsets = [5, 0], sizes = [3, 128], strides = [1, 1]} : vector<8x128xf32> to vector<3x128xf32>
      %jit3A_412 = arith.constant 0.000000e+00 : f32
      %broadcast_in_dim3A_413 = vector.shape_cast %lt3A_410 : vector<1x128xi1> to vector<1x128xi1>
      %broadcast_in_dim3A_414 = vector.broadcast %broadcast_in_dim3A_413 : vector<1x128xi1> to vector<3x128xi1>
      %broadcast_in_dim3A_415 = vector.broadcast %jit3A_412 : f32 to vector<3x128xf32>
      %select_n3A_416 = arith.select %broadcast_in_dim3A_414, %slice3A_411, %broadcast_in_dim3A_415 : vector<3x128xi1>, vector<3x128xf32>
      %dot_general3A_417 = arith.constant dense<0.000000e+00> : vector<3x256xf32>
      %dot_general3A_418 = tpu.matmul %select_n3A_416, %select_n3A_407, %dot_general3A_417 {dimension_numbers = #tpu.dot_dimension_numbers<[1], [1], [0], [0], [0, 0, 1, 0], [], []>, transpose_lhs_hint = false} : vector<3x128xf32>, vector<256x128xf32>, vector<3x256xf32> -> vector<3x256xf32>
      %add3A_419 = arith.addf %while3A_352, %dot_general3A_418 : vector<3x256xf32>
      scf.yield %add3A_419 : vector<3x256xf32>
    }
    %get3A_66 = arith.index_cast %add3A : i32 to index
    %get3A_67 = arith.constant 1 : index
    %get3A_68 = memref.load %arg2[%get3A_66, %get3A_67] : memref<256x7xi32, #tpu.memory_space<smem>>
    %get3A_69 = arith.index_cast %add3A : i32 to index
    %get3A_70 = arith.constant 1 : index
    %get3A_71 = memref.load %arg3[%get3A_69, %get3A_70] : memref<256x7xi32, #tpu.memory_space<smem>>
    %sub3A_72 = arith.subi %get3A_71, %get3A_68 : i32
    %add3A_73 = arith.constant 128 : i32
    %add3A_74 = arith.addi %sub3A_72, %add3A_73 : i32
    %sub3A_75 = arith.constant 1 : i32
    %sub3A_76 = arith.subi %add3A_74, %sub3A_75 : i32
    %jit3A_77 = arith.constant 128 : i32
    %div3A_78 = arith.divsi %sub3A_76, %jit3A_77 : i32
    %sign3A_79 = arith.constant 0 : i32
    %sign3A_80 = arith.cmpi sgt, %sub3A_76, %sign3A_79 : i32
    %sign3A_81 = arith.extui %sign3A_80 : i1 to i32
    %sign3A_82 = arith.constant 0 : i32
    %sign3A_83 = arith.cmpi slt, %sub3A_76, %sign3A_82 : i32
    %sign3A_84 = arith.extui %sign3A_83 : i1 to i32
    %sign3A_85 = arith.subi %sign3A_81, %sign3A_84 : i32
    %sign3A_86 = arith.constant 0 : i32
    %sign3A_87 = arith.cmpi sgt, %jit3A_77, %sign3A_86 : i32
    %sign3A_88 = arith.extui %sign3A_87 : i1 to i32
    %sign3A_89 = arith.constant 0 : i32
    %sign3A_90 = arith.cmpi slt, %jit3A_77, %sign3A_89 : i32
    %sign3A_91 = arith.extui %sign3A_90 : i1 to i32
    %sign3A_92 = arith.subi %sign3A_88, %sign3A_91 : i32
    %ne3A_93 = arith.cmpi ne, %sign3A_85, %sign3A_92 : i32
    %rem3A_94 = arith.remsi %sub3A_76, %jit3A_77 : i32
    %ne3A_95 = arith.constant 0 : i32
    %ne3A_96 = arith.cmpi ne, %rem3A_94, %ne3A_95 : i32
    %and3A_97 = arith.andi %ne3A_93, %ne3A_96 : i1
    %sub3A_98 = arith.constant 1 : i32
    %sub3A_99 = arith.subi %div3A_78, %sub3A_98 : i32
    %select_n3A_100 = arith.select %and3A_97, %sub3A_99, %div3A_78 : i32
    %while3A_101 = arith.constant 0 : i32
    %while3A_102 = arith.subi %select_n3A_100, %while3A_101 : i32
    %while3A_103 = arith.addi %while3A_101, %while3A_102 : i32
    %while3A_104 = arith.constant 1 : i32
    %while3A_105 = arith.divsi %while3A_102, %while3A_104 : i32
    %while3A_106 = arith.muli %while3A_105, %while3A_104 : i32
    %while3A_107 = arith.addi %while3A_101, %while3A_106 : i32
    %while3A_108 = arith.constant 1 : i32
    %while3A_109 = scf.for %while3A_351 = %while3A_101 to %while3A_107 step %while3A_108 iter_args(%while3A_352 = %while3A_65) -> (vector<3x256xf32>)  : i32 {
      %mul3A_353 = arith.constant 128 : i32
      %mul3A_354 = arith.muli %while3A_351, %mul3A_353 : i32
      %add3A_355 = arith.addi %get3A_68, %mul3A_354 : i32
      %multiple_of3A = tpu.assume_multiple %add3A_355, 8 : i32
      %get3A_356 = arith.index_cast %multiple_of3A : i32 to index
      %get3A_357 = arith.constant 0 : index
      %get3A_358 = vector.load %arg4[%get3A_356, %get3A_357] : memref<6016x8xf32, #tpu.memory_space<vmem>>, vector<128x8xf32>
      %transpose3A = tpu.transpose %get3A_358, [1, 0] : vector<128x8xf32> -> vector<8x128xf32>
      %slice3A = vector.extract_strided_slice %transpose3A {offsets = [0, 0], sizes = [1, 128], strides = [1, 1]} : vector<8x128xf32> to vector<1x128xf32>
      %sub3A_359 = vector.broadcast %add3A_4 : f32 to vector<1x128xf32>
      %sub3A_360 = arith.subf %slice3A, %sub3A_359 : vector<1x128xf32>
      %slice3A_361 = vector.extract_strided_slice %transpose3A {offsets = [1, 0], sizes = [1, 128], strides = [1, 1]} : vector<8x128xf32> to vector<1x128xf32>
      %sub3A_362 = vector.broadcast %add3A_9 : f32 to vector<1x128xf32>
      %sub3A_363 = arith.subf %slice3A_361, %sub3A_362 : vector<1x128xf32>
      %slice3A_364 = vector.extract_strided_slice %transpose3A {offsets = [2, 0], sizes = [1, 128], strides = [1, 1]} : vector<8x128xf32> to vector<1x128xf32>
      %slice3A_365 = vector.extract_strided_slice %transpose3A {offsets = [3, 0], sizes = [1, 128], strides = [1, 1]} : vector<8x128xf32> to vector<1x128xf32>
      %slice3A_366 = vector.extract_strided_slice %transpose3A {offsets = [4, 0], sizes = [1, 128], strides = [1, 1]} : vector<8x128xf32> to vector<1x128xf32>
      %mul3A_367 = arith.constant 5.000000e-01 : f32
      %mul3A_368 = vector.broadcast %mul3A_367 : f32 to vector<1x128xf32>
      %mul3A_369 = arith.mulf %mul3A_368, %slice3A_364 : vector<1x128xf32>
      %mul3A_370 = arith.mulf %slice3A_364, %sub3A_360 : vector<1x128xf32>
      %mul3A_371 = arith.mulf %slice3A_365, %sub3A_363 : vector<1x128xf32>
      %add3A_372 = arith.addf %mul3A_370, %mul3A_371 : vector<1x128xf32>
      %neg3A = arith.constant 0.000000e+00 : f32
      %neg3A_373 = vector.broadcast %neg3A : f32 to vector<1x128xf32>
      %neg3A_374 = arith.subf %neg3A_373, %add3A_372 : vector<1x128xf32>
      %mul3A_375 = arith.constant 5.000000e-01 : f32
      %mul3A_376 = vector.broadcast %mul3A_375 : f32 to vector<1x128xf32>
      %mul3A_377 = arith.mulf %mul3A_376, %slice3A_366 : vector<1x128xf32>
      %mul3A_378 = arith.mulf %slice3A_366, %sub3A_363 : vector<1x128xf32>
      %mul3A_379 = arith.mulf %slice3A_365, %sub3A_360 : vector<1x128xf32>
      %add3A_380 = arith.addf %mul3A_378, %mul3A_379 : vector<1x128xf32>
      %neg3A_381 = arith.constant 0.000000e+00 : f32
      %neg3A_382 = vector.broadcast %neg3A_381 : f32 to vector<1x128xf32>
      %neg3A_383 = arith.subf %neg3A_382, %add3A_380 : vector<1x128xf32>
      %mul3A_384 = arith.constant 5.000000e-01 : f32
      %mul3A_385 = vector.broadcast %mul3A_384 : f32 to vector<1x128xf32>
      %mul3A_386 = arith.mulf %mul3A_385, %slice3A_364 : vector<1x128xf32>
      %mul3A_387 = arith.mulf %mul3A_386, %sub3A_360 : vector<1x128xf32>
      %mul3A_388 = arith.mulf %mul3A_387, %sub3A_360 : vector<1x128xf32>
      %mul3A_389 = arith.constant 5.000000e-01 : f32
      %mul3A_390 = vector.broadcast %mul3A_389 : f32 to vector<1x128xf32>
      %mul3A_391 = arith.mulf %mul3A_390, %slice3A_366 : vector<1x128xf32>
      %mul3A_392 = arith.mulf %mul3A_391, %sub3A_363 : vector<1x128xf32>
      %mul3A_393 = arith.mulf %mul3A_392, %sub3A_363 : vector<1x128xf32>
      %add3A_394 = arith.addf %mul3A_388, %mul3A_393 : vector<1x128xf32>
      %mul3A_395 = arith.mulf %slice3A_365, %sub3A_360 : vector<1x128xf32>
      %mul3A_396 = arith.mulf %mul3A_395, %sub3A_363 : vector<1x128xf32>
      %add3A_397 = arith.addf %add3A_394, %mul3A_396 : vector<1x128xf32>
      %concatenate3A_398 = tpu.concatenate %mul3A_369, %neg3A_374, %mul3A_377, %neg3A_383, %slice3A_365, %add3A_397 in 0 : vector<1x128xf32>, vector<1x128xf32>, vector<1x128xf32>, vector<1x128xf32>, vector<1x128xf32>, vector<1x128xf32> -> vector<6x128xf32>
      %dot_general3A = arith.constant dense<0.000000e+00> : vector<256x128xf32>
      %dot_general3A_399 = tpu.matmul %concatenate3A, %concatenate3A_398, %dot_general3A {dimension_numbers = #tpu.dot_dimension_numbers<[1], [0], [0], [1], [0, 0, 1, 1], [], []>, transpose_lhs_hint = false} : vector<256x6xf32>, vector<6x128xf32>, vector<256x128xf32> -> vector<256x128xf32>
      %ge3A = arith.constant 0.000000e+00 : f32
      %ge3A_400 = vector.broadcast %ge3A : f32 to vector<256x128xf32>
      %ge3A_401 = arith.cmpf oge, %dot_general3A_399, %ge3A_400 : vector<256x128xf32>
      %neg3A_402 = arith.constant 0.000000e+00 : f32
      %neg3A_403 = vector.broadcast %neg3A_402 : f32 to vector<256x128xf32>
      %neg3A_404 = arith.subf %neg3A_403, %dot_general3A_399 : vector<256x128xf32>
      %exp3A = math.exp %neg3A_404 : vector<256x128xf32>
      %jit3A_405 = arith.constant 0.000000e+00 : f32
      %broadcast_in_dim3A_406 = vector.broadcast %jit3A_405 : f32 to vector<256x128xf32>
      %select_n3A_407 = arith.select %ge3A_401, %exp3A, %broadcast_in_dim3A_406 : vector<256x128xi1>, vector<256x128xf32>
      %add3A_408 = vector.broadcast %multiple_of3A : i32 to vector<1x128xi32>
      %add3A_409 = arith.addi %iota3A_25, %add3A_408 : vector<1x128xi32>
      %lt3A = vector.broadcast %get3A_71 : i32 to vector<1x128xi32>
      %lt3A_410 = arith.cmpi slt, %add3A_409, %lt3A : vector<1x128xi32>
      %slice3A_411 = vector.extract_strided_slice %transpose3A {offsets = [5, 0], sizes = [3, 128], strides = [1, 1]} : vector<8x128xf32> to vector<3x128xf32>
      %jit3A_412 = arith.constant 0.000000e+00 : f32
      %broadcast_in_dim3A_413 = vector.shape_cast %lt3A_410 : vector<1x128xi1> to vector<1x128xi1>
      %broadcast_in_dim3A_414 = vector.broadcast %broadcast_in_dim3A_413 : vector<1x128xi1> to vector<3x128xi1>
      %broadcast_in_dim3A_415 = vector.broadcast %jit3A_412 : f32 to vector<3x128xf32>
      %select_n3A_416 = arith.select %broadcast_in_dim3A_414, %slice3A_411, %broadcast_in_dim3A_415 : vector<3x128xi1>, vector<3x128xf32>
      %dot_general3A_417 = arith.constant dense<0.000000e+00> : vector<3x256xf32>
      %dot_general3A_418 = tpu.matmul %select_n3A_416, %select_n3A_407, %dot_general3A_417 {dimension_numbers = #tpu.dot_dimension_numbers<[1], [1], [0], [0], [0, 0, 1, 0], [], []>, transpose_lhs_hint = false} : vector<3x128xf32>, vector<256x128xf32>, vector<3x256xf32> -> vector<3x256xf32>
      %add3A_419 = arith.addf %while3A_352, %dot_general3A_418 : vector<3x256xf32>
      scf.yield %add3A_419 : vector<3x256xf32>
    }
    %while3A_110 = arith.constant 1 : i32
    %while3A_111 = scf.for %while3A_351 = %while3A_107 to %while3A_103 step %while3A_110 iter_args(%while3A_352 = %while3A_109) -> (vector<3x256xf32>)  : i32 {
      %mul3A_353 = arith.constant 128 : i32
      %mul3A_354 = arith.muli %while3A_351, %mul3A_353 : i32
      %add3A_355 = arith.addi %get3A_68, %mul3A_354 : i32
      %multiple_of3A = tpu.assume_multiple %add3A_355, 8 : i32
      %get3A_356 = arith.index_cast %multiple_of3A : i32 to index
      %get3A_357 = arith.constant 0 : index
      %get3A_358 = vector.load %arg4[%get3A_356, %get3A_357] : memref<6016x8xf32, #tpu.memory_space<vmem>>, vector<128x8xf32>
      %transpose3A = tpu.transpose %get3A_358, [1, 0] : vector<128x8xf32> -> vector<8x128xf32>
      %slice3A = vector.extract_strided_slice %transpose3A {offsets = [0, 0], sizes = [1, 128], strides = [1, 1]} : vector<8x128xf32> to vector<1x128xf32>
      %sub3A_359 = vector.broadcast %add3A_4 : f32 to vector<1x128xf32>
      %sub3A_360 = arith.subf %slice3A, %sub3A_359 : vector<1x128xf32>
      %slice3A_361 = vector.extract_strided_slice %transpose3A {offsets = [1, 0], sizes = [1, 128], strides = [1, 1]} : vector<8x128xf32> to vector<1x128xf32>
      %sub3A_362 = vector.broadcast %add3A_9 : f32 to vector<1x128xf32>
      %sub3A_363 = arith.subf %slice3A_361, %sub3A_362 : vector<1x128xf32>
      %slice3A_364 = vector.extract_strided_slice %transpose3A {offsets = [2, 0], sizes = [1, 128], strides = [1, 1]} : vector<8x128xf32> to vector<1x128xf32>
      %slice3A_365 = vector.extract_strided_slice %transpose3A {offsets = [3, 0], sizes = [1, 128], strides = [1, 1]} : vector<8x128xf32> to vector<1x128xf32>
      %slice3A_366 = vector.extract_strided_slice %transpose3A {offsets = [4, 0], sizes = [1, 128], strides = [1, 1]} : vector<8x128xf32> to vector<1x128xf32>
      %mul3A_367 = arith.constant 5.000000e-01 : f32
      %mul3A_368 = vector.broadcast %mul3A_367 : f32 to vector<1x128xf32>
      %mul3A_369 = arith.mulf %mul3A_368, %slice3A_364 : vector<1x128xf32>
      %mul3A_370 = arith.mulf %slice3A_364, %sub3A_360 : vector<1x128xf32>
      %mul3A_371 = arith.mulf %slice3A_365, %sub3A_363 : vector<1x128xf32>
      %add3A_372 = arith.addf %mul3A_370, %mul3A_371 : vector<1x128xf32>
      %neg3A = arith.constant 0.000000e+00 : f32
      %neg3A_373 = vector.broadcast %neg3A : f32 to vector<1x128xf32>
      %neg3A_374 = arith.subf %neg3A_373, %add3A_372 : vector<1x128xf32>
      %mul3A_375 = arith.constant 5.000000e-01 : f32
      %mul3A_376 = vector.broadcast %mul3A_375 : f32 to vector<1x128xf32>
      %mul3A_377 = arith.mulf %mul3A_376, %slice3A_366 : vector<1x128xf32>
      %mul3A_378 = arith.mulf %slice3A_366, %sub3A_363 : vector<1x128xf32>
      %mul3A_379 = arith.mulf %slice3A_365, %sub3A_360 : vector<1x128xf32>
      %add3A_380 = arith.addf %mul3A_378, %mul3A_379 : vector<1x128xf32>
      %neg3A_381 = arith.constant 0.000000e+00 : f32
      %neg3A_382 = vector.broadcast %neg3A_381 : f32 to vector<1x128xf32>
      %neg3A_383 = arith.subf %neg3A_382, %add3A_380 : vector<1x128xf32>
      %mul3A_384 = arith.constant 5.000000e-01 : f32
      %mul3A_385 = vector.broadcast %mul3A_384 : f32 to vector<1x128xf32>
      %mul3A_386 = arith.mulf %mul3A_385, %slice3A_364 : vector<1x128xf32>
      %mul3A_387 = arith.mulf %mul3A_386, %sub3A_360 : vector<1x128xf32>
      %mul3A_388 = arith.mulf %mul3A_387, %sub3A_360 : vector<1x128xf32>
      %mul3A_389 = arith.constant 5.000000e-01 : f32
      %mul3A_390 = vector.broadcast %mul3A_389 : f32 to vector<1x128xf32>
      %mul3A_391 = arith.mulf %mul3A_390, %slice3A_366 : vector<1x128xf32>
      %mul3A_392 = arith.mulf %mul3A_391, %sub3A_363 : vector<1x128xf32>
      %mul3A_393 = arith.mulf %mul3A_392, %sub3A_363 : vector<1x128xf32>
      %add3A_394 = arith.addf %mul3A_388, %mul3A_393 : vector<1x128xf32>
      %mul3A_395 = arith.mulf %slice3A_365, %sub3A_360 : vector<1x128xf32>
      %mul3A_396 = arith.mulf %mul3A_395, %sub3A_363 : vector<1x128xf32>
      %add3A_397 = arith.addf %add3A_394, %mul3A_396 : vector<1x128xf32>
      %concatenate3A_398 = tpu.concatenate %mul3A_369, %neg3A_374, %mul3A_377, %neg3A_383, %slice3A_365, %add3A_397 in 0 : vector<1x128xf32>, vector<1x128xf32>, vector<1x128xf32>, vector<1x128xf32>, vector<1x128xf32>, vector<1x128xf32> -> vector<6x128xf32>
      %dot_general3A = arith.constant dense<0.000000e+00> : vector<256x128xf32>
      %dot_general3A_399 = tpu.matmul %concatenate3A, %concatenate3A_398, %dot_general3A {dimension_numbers = #tpu.dot_dimension_numbers<[1], [0], [0], [1], [0, 0, 1, 1], [], []>, transpose_lhs_hint = false} : vector<256x6xf32>, vector<6x128xf32>, vector<256x128xf32> -> vector<256x128xf32>
      %ge3A = arith.constant 0.000000e+00 : f32
      %ge3A_400 = vector.broadcast %ge3A : f32 to vector<256x128xf32>
      %ge3A_401 = arith.cmpf oge, %dot_general3A_399, %ge3A_400 : vector<256x128xf32>
      %neg3A_402 = arith.constant 0.000000e+00 : f32
      %neg3A_403 = vector.broadcast %neg3A_402 : f32 to vector<256x128xf32>
      %neg3A_404 = arith.subf %neg3A_403, %dot_general3A_399 : vector<256x128xf32>
      %exp3A = math.exp %neg3A_404 : vector<256x128xf32>
      %jit3A_405 = arith.constant 0.000000e+00 : f32
      %broadcast_in_dim3A_406 = vector.broadcast %jit3A_405 : f32 to vector<256x128xf32>
      %select_n3A_407 = arith.select %ge3A_401, %exp3A, %broadcast_in_dim3A_406 : vector<256x128xi1>, vector<256x128xf32>
      %add3A_408 = vector.broadcast %multiple_of3A : i32 to vector<1x128xi32>
      %add3A_409 = arith.addi %iota3A_25, %add3A_408 : vector<1x128xi32>
      %lt3A = vector.broadcast %get3A_71 : i32 to vector<1x128xi32>
      %lt3A_410 = arith.cmpi slt, %add3A_409, %lt3A : vector<1x128xi32>
      %slice3A_411 = vector.extract_strided_slice %transpose3A {offsets = [5, 0], sizes = [3, 128], strides = [1, 1]} : vector<8x128xf32> to vector<3x128xf32>
      %jit3A_412 = arith.constant 0.000000e+00 : f32
      %broadcast_in_dim3A_413 = vector.shape_cast %lt3A_410 : vector<1x128xi1> to vector<1x128xi1>
      %broadcast_in_dim3A_414 = vector.broadcast %broadcast_in_dim3A_413 : vector<1x128xi1> to vector<3x128xi1>
      %broadcast_in_dim3A_415 = vector.broadcast %jit3A_412 : f32 to vector<3x128xf32>
      %select_n3A_416 = arith.select %broadcast_in_dim3A_414, %slice3A_411, %broadcast_in_dim3A_415 : vector<3x128xi1>, vector<3x128xf32>
      %dot_general3A_417 = arith.constant dense<0.000000e+00> : vector<3x256xf32>
      %dot_general3A_418 = tpu.matmul %select_n3A_416, %select_n3A_407, %dot_general3A_417 {dimension_numbers = #tpu.dot_dimension_numbers<[1], [1], [0], [0], [0, 0, 1, 0], [], []>, transpose_lhs_hint = false} : vector<3x128xf32>, vector<256x128xf32>, vector<3x256xf32> -> vector<3x256xf32>
      %add3A_419 = arith.addf %while3A_352, %dot_general3A_418 : vector<3x256xf32>
      scf.yield %add3A_419 : vector<3x256xf32>
    }
    %get3A_112 = arith.index_cast %add3A : i32 to index
    %get3A_113 = arith.constant 2 : index
    %get3A_114 = memref.load %arg2[%get3A_112, %get3A_113] : memref<256x7xi32, #tpu.memory_space<smem>>
    %get3A_115 = arith.index_cast %add3A : i32 to index
    %get3A_116 = arith.constant 2 : index
    %get3A_117 = memref.load %arg3[%get3A_115, %get3A_116] : memref<256x7xi32, #tpu.memory_space<smem>>
    %sub3A_118 = arith.subi %get3A_117, %get3A_114 : i32
    %add3A_119 = arith.constant 128 : i32
    %add3A_120 = arith.addi %sub3A_118, %add3A_119 : i32
    %sub3A_121 = arith.constant 1 : i32
    %sub3A_122 = arith.subi %add3A_120, %sub3A_121 : i32
    %jit3A_123 = arith.constant 128 : i32
    %div3A_124 = arith.divsi %sub3A_122, %jit3A_123 : i32
    %sign3A_125 = arith.constant 0 : i32
    %sign3A_126 = arith.cmpi sgt, %sub3A_122, %sign3A_125 : i32
    %sign3A_127 = arith.extui %sign3A_126 : i1 to i32
    %sign3A_128 = arith.constant 0 : i32
    %sign3A_129 = arith.cmpi slt, %sub3A_122, %sign3A_128 : i32
    %sign3A_130 = arith.extui %sign3A_129 : i1 to i32
    %sign3A_131 = arith.subi %sign3A_127, %sign3A_130 : i32
    %sign3A_132 = arith.constant 0 : i32
    %sign3A_133 = arith.cmpi sgt, %jit3A_123, %sign3A_132 : i32
    %sign3A_134 = arith.extui %sign3A_133 : i1 to i32
    %sign3A_135 = arith.constant 0 : i32
    %sign3A_136 = arith.cmpi slt, %jit3A_123, %sign3A_135 : i32
    %sign3A_137 = arith.extui %sign3A_136 : i1 to i32
    %sign3A_138 = arith.subi %sign3A_134, %sign3A_137 : i32
    %ne3A_139 = arith.cmpi ne, %sign3A_131, %sign3A_138 : i32
    %rem3A_140 = arith.remsi %sub3A_122, %jit3A_123 : i32
    %ne3A_141 = arith.constant 0 : i32
    %ne3A_142 = arith.cmpi ne, %rem3A_140, %ne3A_141 : i32
    %and3A_143 = arith.andi %ne3A_139, %ne3A_142 : i1
    %sub3A_144 = arith.constant 1 : i32
    %sub3A_145 = arith.subi %div3A_124, %sub3A_144 : i32
    %select_n3A_146 = arith.select %and3A_143, %sub3A_145, %div3A_124 : i32
    %while3A_147 = arith.constant 0 : i32
    %while3A_148 = arith.subi %select_n3A_146, %while3A_147 : i32
    %while3A_149 = arith.addi %while3A_147, %while3A_148 : i32
    %while3A_150 = arith.constant 1 : i32
    %while3A_151 = arith.divsi %while3A_148, %while3A_150 : i32
    %while3A_152 = arith.muli %while3A_151, %while3A_150 : i32
    %while3A_153 = arith.addi %while3A_147, %while3A_152 : i32
    %while3A_154 = arith.constant 1 : i32
    %while3A_155 = scf.for %while3A_351 = %while3A_147 to %while3A_153 step %while3A_154 iter_args(%while3A_352 = %while3A_111) -> (vector<3x256xf32>)  : i32 {
      %mul3A_353 = arith.constant 128 : i32
      %mul3A_354 = arith.muli %while3A_351, %mul3A_353 : i32
      %add3A_355 = arith.addi %get3A_114, %mul3A_354 : i32
      %multiple_of3A = tpu.assume_multiple %add3A_355, 8 : i32
      %get3A_356 = arith.index_cast %multiple_of3A : i32 to index
      %get3A_357 = arith.constant 0 : index
      %get3A_358 = vector.load %arg4[%get3A_356, %get3A_357] : memref<6016x8xf32, #tpu.memory_space<vmem>>, vector<128x8xf32>
      %transpose3A = tpu.transpose %get3A_358, [1, 0] : vector<128x8xf32> -> vector<8x128xf32>
      %slice3A = vector.extract_strided_slice %transpose3A {offsets = [0, 0], sizes = [1, 128], strides = [1, 1]} : vector<8x128xf32> to vector<1x128xf32>
      %sub3A_359 = vector.broadcast %add3A_4 : f32 to vector<1x128xf32>
      %sub3A_360 = arith.subf %slice3A, %sub3A_359 : vector<1x128xf32>
      %slice3A_361 = vector.extract_strided_slice %transpose3A {offsets = [1, 0], sizes = [1, 128], strides = [1, 1]} : vector<8x128xf32> to vector<1x128xf32>
      %sub3A_362 = vector.broadcast %add3A_9 : f32 to vector<1x128xf32>
      %sub3A_363 = arith.subf %slice3A_361, %sub3A_362 : vector<1x128xf32>
      %slice3A_364 = vector.extract_strided_slice %transpose3A {offsets = [2, 0], sizes = [1, 128], strides = [1, 1]} : vector<8x128xf32> to vector<1x128xf32>
      %slice3A_365 = vector.extract_strided_slice %transpose3A {offsets = [3, 0], sizes = [1, 128], strides = [1, 1]} : vector<8x128xf32> to vector<1x128xf32>
      %slice3A_366 = vector.extract_strided_slice %transpose3A {offsets = [4, 0], sizes = [1, 128], strides = [1, 1]} : vector<8x128xf32> to vector<1x128xf32>
      %mul3A_367 = arith.constant 5.000000e-01 : f32
      %mul3A_368 = vector.broadcast %mul3A_367 : f32 to vector<1x128xf32>
      %mul3A_369 = arith.mulf %mul3A_368, %slice3A_364 : vector<1x128xf32>
      %mul3A_370 = arith.mulf %slice3A_364, %sub3A_360 : vector<1x128xf32>
      %mul3A_371 = arith.mulf %slice3A_365, %sub3A_363 : vector<1x128xf32>
      %add3A_372 = arith.addf %mul3A_370, %mul3A_371 : vector<1x128xf32>
      %neg3A = arith.constant 0.000000e+00 : f32
      %neg3A_373 = vector.broadcast %neg3A : f32 to vector<1x128xf32>
      %neg3A_374 = arith.subf %neg3A_373, %add3A_372 : vector<1x128xf32>
      %mul3A_375 = arith.constant 5.000000e-01 : f32
      %mul3A_376 = vector.broadcast %mul3A_375 : f32 to vector<1x128xf32>
      %mul3A_377 = arith.mulf %mul3A_376, %slice3A_366 : vector<1x128xf32>
      %mul3A_378 = arith.mulf %slice3A_366, %sub3A_363 : vector<1x128xf32>
      %mul3A_379 = arith.mulf %slice3A_365, %sub3A_360 : vector<1x128xf32>
      %add3A_380 = arith.addf %mul3A_378, %mul3A_379 : vector<1x128xf32>
      %neg3A_381 = arith.constant 0.000000e+00 : f32
      %neg3A_382 = vector.broadcast %neg3A_381 : f32 to vector<1x128xf32>
      %neg3A_383 = arith.subf %neg3A_382, %add3A_380 : vector<1x128xf32>
      %mul3A_384 = arith.constant 5.000000e-01 : f32
      %mul3A_385 = vector.broadcast %mul3A_384 : f32 to vector<1x128xf32>
      %mul3A_386 = arith.mulf %mul3A_385, %slice3A_364 : vector<1x128xf32>
      %mul3A_387 = arith.mulf %mul3A_386, %sub3A_360 : vector<1x128xf32>
      %mul3A_388 = arith.mulf %mul3A_387, %sub3A_360 : vector<1x128xf32>
      %mul3A_389 = arith.constant 5.000000e-01 : f32
      %mul3A_390 = vector.broadcast %mul3A_389 : f32 to vector<1x128xf32>
      %mul3A_391 = arith.mulf %mul3A_390, %slice3A_366 : vector<1x128xf32>
      %mul3A_392 = arith.mulf %mul3A_391, %sub3A_363 : vector<1x128xf32>
      %mul3A_393 = arith.mulf %mul3A_392, %sub3A_363 : vector<1x128xf32>
      %add3A_394 = arith.addf %mul3A_388, %mul3A_393 : vector<1x128xf32>
      %mul3A_395 = arith.mulf %slice3A_365, %sub3A_360 : vector<1x128xf32>
      %mul3A_396 = arith.mulf %mul3A_395, %sub3A_363 : vector<1x128xf32>
      %add3A_397 = arith.addf %add3A_394, %mul3A_396 : vector<1x128xf32>
      %concatenate3A_398 = tpu.concatenate %mul3A_369, %neg3A_374, %mul3A_377, %neg3A_383, %slice3A_365, %add3A_397 in 0 : vector<1x128xf32>, vector<1x128xf32>, vector<1x128xf32>, vector<1x128xf32>, vector<1x128xf32>, vector<1x128xf32> -> vector<6x128xf32>
      %dot_general3A = arith.constant dense<0.000000e+00> : vector<256x128xf32>
      %dot_general3A_399 = tpu.matmul %concatenate3A, %concatenate3A_398, %dot_general3A {dimension_numbers = #tpu.dot_dimension_numbers<[1], [0], [0], [1], [0, 0, 1, 1], [], []>, transpose_lhs_hint = false} : vector<256x6xf32>, vector<6x128xf32>, vector<256x128xf32> -> vector<256x128xf32>
      %ge3A = arith.constant 0.000000e+00 : f32
      %ge3A_400 = vector.broadcast %ge3A : f32 to vector<256x128xf32>
      %ge3A_401 = arith.cmpf oge, %dot_general3A_399, %ge3A_400 : vector<256x128xf32>
      %neg3A_402 = arith.constant 0.000000e+00 : f32
      %neg3A_403 = vector.broadcast %neg3A_402 : f32 to vector<256x128xf32>
      %neg3A_404 = arith.subf %neg3A_403, %dot_general3A_399 : vector<256x128xf32>
      %exp3A = math.exp %neg3A_404 : vector<256x128xf32>
      %jit3A_405 = arith.constant 0.000000e+00 : f32
      %broadcast_in_dim3A_406 = vector.broadcast %jit3A_405 : f32 to vector<256x128xf32>
      %select_n3A_407 = arith.select %ge3A_401, %exp3A, %broadcast_in_dim3A_406 : vector<256x128xi1>, vector<256x128xf32>
      %add3A_408 = vector.broadcast %multiple_of3A : i32 to vector<1x128xi32>
      %add3A_409 = arith.addi %iota3A_25, %add3A_408 : vector<1x128xi32>
      %lt3A = vector.broadcast %get3A_117 : i32 to vector<1x128xi32>
      %lt3A_410 = arith.cmpi slt, %add3A_409, %lt3A : vector<1x128xi32>
      %slice3A_411 = vector.extract_strided_slice %transpose3A {offsets = [5, 0], sizes = [3, 128], strides = [1, 1]} : vector<8x128xf32> to vector<3x128xf32>
      %jit3A_412 = arith.constant 0.000000e+00 : f32
      %broadcast_in_dim3A_413 = vector.shape_cast %lt3A_410 : vector<1x128xi1> to vector<1x128xi1>
      %broadcast_in_dim3A_414 = vector.broadcast %broadcast_in_dim3A_413 : vector<1x128xi1> to vector<3x128xi1>
      %broadcast_in_dim3A_415 = vector.broadcast %jit3A_412 : f32 to vector<3x128xf32>
      %select_n3A_416 = arith.select %broadcast_in_dim3A_414, %slice3A_411, %broadcast_in_dim3A_415 : vector<3x128xi1>, vector<3x128xf32>
      %dot_general3A_417 = arith.constant dense<0.000000e+00> : vector<3x256xf32>
      %dot_general3A_418 = tpu.matmul %select_n3A_416, %select_n3A_407, %dot_general3A_417 {dimension_numbers = #tpu.dot_dimension_numbers<[1], [1], [0], [0], [0, 0, 1, 0], [], []>, transpose_lhs_hint = false} : vector<3x128xf32>, vector<256x128xf32>, vector<3x256xf32> -> vector<3x256xf32>
      %add3A_419 = arith.addf %while3A_352, %dot_general3A_418 : vector<3x256xf32>
      scf.yield %add3A_419 : vector<3x256xf32>
    }
    %while3A_156 = arith.constant 1 : i32
    %while3A_157 = scf.for %while3A_351 = %while3A_153 to %while3A_149 step %while3A_156 iter_args(%while3A_352 = %while3A_155) -> (vector<3x256xf32>)  : i32 {
      %mul3A_353 = arith.constant 128 : i32
      %mul3A_354 = arith.muli %while3A_351, %mul3A_353 : i32
      %add3A_355 = arith.addi %get3A_114, %mul3A_354 : i32
      %multiple_of3A = tpu.assume_multiple %add3A_355, 8 : i32
      %get3A_356 = arith.index_cast %multiple_of3A : i32 to index
      %get3A_357 = arith.constant 0 : index
      %get3A_358 = vector.load %arg4[%get3A_356, %get3A_357] : memref<6016x8xf32, #tpu.memory_space<vmem>>, vector<128x8xf32>
      %transpose3A = tpu.transpose %get3A_358, [1, 0] : vector<128x8xf32> -> vector<8x128xf32>
      %slice3A = vector.extract_strided_slice %transpose3A {offsets = [0, 0], sizes = [1, 128], strides = [1, 1]} : vector<8x128xf32> to vector<1x128xf32>
      %sub3A_359 = vector.broadcast %add3A_4 : f32 to vector<1x128xf32>
      %sub3A_360 = arith.subf %slice3A, %sub3A_359 : vector<1x128xf32>
      %slice3A_361 = vector.extract_strided_slice %transpose3A {offsets = [1, 0], sizes = [1, 128], strides = [1, 1]} : vector<8x128xf32> to vector<1x128xf32>
      %sub3A_362 = vector.broadcast %add3A_9 : f32 to vector<1x128xf32>
      %sub3A_363 = arith.subf %slice3A_361, %sub3A_362 : vector<1x128xf32>
      %slice3A_364 = vector.extract_strided_slice %transpose3A {offsets = [2, 0], sizes = [1, 128], strides = [1, 1]} : vector<8x128xf32> to vector<1x128xf32>
      %slice3A_365 = vector.extract_strided_slice %transpose3A {offsets = [3, 0], sizes = [1, 128], strides = [1, 1]} : vector<8x128xf32> to vector<1x128xf32>
      %slice3A_366 = vector.extract_strided_slice %transpose3A {offsets = [4, 0], sizes = [1, 128], strides = [1, 1]} : vector<8x128xf32> to vector<1x128xf32>
      %mul3A_367 = arith.constant 5.000000e-01 : f32
      %mul3A_368 = vector.broadcast %mul3A_367 : f32 to vector<1x128xf32>
      %mul3A_369 = arith.mulf %mul3A_368, %slice3A_364 : vector<1x128xf32>
      %mul3A_370 = arith.mulf %slice3A_364, %sub3A_360 : vector<1x128xf32>
      %mul3A_371 = arith.mulf %slice3A_365, %sub3A_363 : vector<1x128xf32>
      %add3A_372 = arith.addf %mul3A_370, %mul3A_371 : vector<1x128xf32>
      %neg3A = arith.constant 0.000000e+00 : f32
      %neg3A_373 = vector.broadcast %neg3A : f32 to vector<1x128xf32>
      %neg3A_374 = arith.subf %neg3A_373, %add3A_372 : vector<1x128xf32>
      %mul3A_375 = arith.constant 5.000000e-01 : f32
      %mul3A_376 = vector.broadcast %mul3A_375 : f32 to vector<1x128xf32>
      %mul3A_377 = arith.mulf %mul3A_376, %slice3A_366 : vector<1x128xf32>
      %mul3A_378 = arith.mulf %slice3A_366, %sub3A_363 : vector<1x128xf32>
      %mul3A_379 = arith.mulf %slice3A_365, %sub3A_360 : vector<1x128xf32>
      %add3A_380 = arith.addf %mul3A_378, %mul3A_379 : vector<1x128xf32>
      %neg3A_381 = arith.constant 0.000000e+00 : f32
      %neg3A_382 = vector.broadcast %neg3A_381 : f32 to vector<1x128xf32>
      %neg3A_383 = arith.subf %neg3A_382, %add3A_380 : vector<1x128xf32>
      %mul3A_384 = arith.constant 5.000000e-01 : f32
      %mul3A_385 = vector.broadcast %mul3A_384 : f32 to vector<1x128xf32>
      %mul3A_386 = arith.mulf %mul3A_385, %slice3A_364 : vector<1x128xf32>
      %mul3A_387 = arith.mulf %mul3A_386, %sub3A_360 : vector<1x128xf32>
      %mul3A_388 = arith.mulf %mul3A_387, %sub3A_360 : vector<1x128xf32>
      %mul3A_389 = arith.constant 5.000000e-01 : f32
      %mul3A_390 = vector.broadcast %mul3A_389 : f32 to vector<1x128xf32>
      %mul3A_391 = arith.mulf %mul3A_390, %slice3A_366 : vector<1x128xf32>
      %mul3A_392 = arith.mulf %mul3A_391, %sub3A_363 : vector<1x128xf32>
      %mul3A_393 = arith.mulf %mul3A_392, %sub3A_363 : vector<1x128xf32>
      %add3A_394 = arith.addf %mul3A_388, %mul3A_393 : vector<1x128xf32>
      %mul3A_395 = arith.mulf %slice3A_365, %sub3A_360 : vector<1x128xf32>
      %mul3A_396 = arith.mulf %mul3A_395, %sub3A_363 : vector<1x128xf32>
      %add3A_397 = arith.addf %add3A_394, %mul3A_396 : vector<1x128xf32>
      %concatenate3A_398 = tpu.concatenate %mul3A_369, %neg3A_374, %mul3A_377, %neg3A_383, %slice3A_365, %add3A_397 in 0 : vector<1x128xf32>, vector<1x128xf32>, vector<1x128xf32>, vector<1x128xf32>, vector<1x128xf32>, vector<1x128xf32> -> vector<6x128xf32>
      %dot_general3A = arith.constant dense<0.000000e+00> : vector<256x128xf32>
      %dot_general3A_399 = tpu.matmul %concatenate3A, %concatenate3A_398, %dot_general3A {dimension_numbers = #tpu.dot_dimension_numbers<[1], [0], [0], [1], [0, 0, 1, 1], [], []>, transpose_lhs_hint = false} : vector<256x6xf32>, vector<6x128xf32>, vector<256x128xf32> -> vector<256x128xf32>
      %ge3A = arith.constant 0.000000e+00 : f32
      %ge3A_400 = vector.broadcast %ge3A : f32 to vector<256x128xf32>
      %ge3A_401 = arith.cmpf oge, %dot_general3A_399, %ge3A_400 : vector<256x128xf32>
      %neg3A_402 = arith.constant 0.000000e+00 : f32
      %neg3A_403 = vector.broadcast %neg3A_402 : f32 to vector<256x128xf32>
      %neg3A_404 = arith.subf %neg3A_403, %dot_general3A_399 : vector<256x128xf32>
      %exp3A = math.exp %neg3A_404 : vector<256x128xf32>
      %jit3A_405 = arith.constant 0.000000e+00 : f32
      %broadcast_in_dim3A_406 = vector.broadcast %jit3A_405 : f32 to vector<256x128xf32>
      %select_n3A_407 = arith.select %ge3A_401, %exp3A, %broadcast_in_dim3A_406 : vector<256x128xi1>, vector<256x128xf32>
      %add3A_408 = vector.broadcast %multiple_of3A : i32 to vector<1x128xi32>
      %add3A_409 = arith.addi %iota3A_25, %add3A_408 : vector<1x128xi32>
      %lt3A = vector.broadcast %get3A_117 : i32 to vector<1x128xi32>
      %lt3A_410 = arith.cmpi slt, %add3A_409, %lt3A : vector<1x128xi32>
      %slice3A_411 = vector.extract_strided_slice %transpose3A {offsets = [5, 0], sizes = [3, 128], strides = [1, 1]} : vector<8x128xf32> to vector<3x128xf32>
      %jit3A_412 = arith.constant 0.000000e+00 : f32
      %broadcast_in_dim3A_413 = vector.shape_cast %lt3A_410 : vector<1x128xi1> to vector<1x128xi1>
      %broadcast_in_dim3A_414 = vector.broadcast %broadcast_in_dim3A_413 : vector<1x128xi1> to vector<3x128xi1>
      %broadcast_in_dim3A_415 = vector.broadcast %jit3A_412 : f32 to vector<3x128xf32>
      %select_n3A_416 = arith.select %broadcast_in_dim3A_414, %slice3A_411, %broadcast_in_dim3A_415 : vector<3x128xi1>, vector<3x128xf32>
      %dot_general3A_417 = arith.constant dense<0.000000e+00> : vector<3x256xf32>
      %dot_general3A_418 = tpu.matmul %select_n3A_416, %select_n3A_407, %dot_general3A_417 {dimension_numbers = #tpu.dot_dimension_numbers<[1], [1], [0], [0], [0, 0, 1, 0], [], []>, transpose_lhs_hint = false} : vector<3x128xf32>, vector<256x128xf32>, vector<3x256xf32> -> vector<3x256xf32>
      %add3A_419 = arith.addf %while3A_352, %dot_general3A_418 : vector<3x256xf32>
      scf.yield %add3A_419 : vector<3x256xf32>
    }
    %get3A_158 = arith.index_cast %add3A : i32 to index
    %get3A_159 = arith.constant 3 : index
    %get3A_160 = memref.load %arg2[%get3A_158, %get3A_159] : memref<256x7xi32, #tpu.memory_space<smem>>
    %get3A_161 = arith.index_cast %add3A : i32 to index
    %get3A_162 = arith.constant 3 : index
    %get3A_163 = memref.load %arg3[%get3A_161, %get3A_162] : memref<256x7xi32, #tpu.memory_space<smem>>
    %sub3A_164 = arith.subi %get3A_163, %get3A_160 : i32
    %add3A_165 = arith.constant 128 : i32
    %add3A_166 = arith.addi %sub3A_164, %add3A_165 : i32
    %sub3A_167 = arith.constant 1 : i32
    %sub3A_168 = arith.subi %add3A_166, %sub3A_167 : i32
    %jit3A_169 = arith.constant 128 : i32
    %div3A_170 = arith.divsi %sub3A_168, %jit3A_169 : i32
    %sign3A_171 = arith.constant 0 : i32
    %sign3A_172 = arith.cmpi sgt, %sub3A_168, %sign3A_171 : i32
    %sign3A_173 = arith.extui %sign3A_172 : i1 to i32
    %sign3A_174 = arith.constant 0 : i32
    %sign3A_175 = arith.cmpi slt, %sub3A_168, %sign3A_174 : i32
    %sign3A_176 = arith.extui %sign3A_175 : i1 to i32
    %sign3A_177 = arith.subi %sign3A_173, %sign3A_176 : i32
    %sign3A_178 = arith.constant 0 : i32
    %sign3A_179 = arith.cmpi sgt, %jit3A_169, %sign3A_178 : i32
    %sign3A_180 = arith.extui %sign3A_179 : i1 to i32
    %sign3A_181 = arith.constant 0 : i32
    %sign3A_182 = arith.cmpi slt, %jit3A_169, %sign3A_181 : i32
    %sign3A_183 = arith.extui %sign3A_182 : i1 to i32
    %sign3A_184 = arith.subi %sign3A_180, %sign3A_183 : i32
    %ne3A_185 = arith.cmpi ne, %sign3A_177, %sign3A_184 : i32
    %rem3A_186 = arith.remsi %sub3A_168, %jit3A_169 : i32
    %ne3A_187 = arith.constant 0 : i32
    %ne3A_188 = arith.cmpi ne, %rem3A_186, %ne3A_187 : i32
    %and3A_189 = arith.andi %ne3A_185, %ne3A_188 : i1
    %sub3A_190 = arith.constant 1 : i32
    %sub3A_191 = arith.subi %div3A_170, %sub3A_190 : i32
    %select_n3A_192 = arith.select %and3A_189, %sub3A_191, %div3A_170 : i32
    %while3A_193 = arith.constant 0 : i32
    %while3A_194 = arith.subi %select_n3A_192, %while3A_193 : i32
    %while3A_195 = arith.addi %while3A_193, %while3A_194 : i32
    %while3A_196 = arith.constant 1 : i32
    %while3A_197 = arith.divsi %while3A_194, %while3A_196 : i32
    %while3A_198 = arith.muli %while3A_197, %while3A_196 : i32
    %while3A_199 = arith.addi %while3A_193, %while3A_198 : i32
    %while3A_200 = arith.constant 1 : i32
    %while3A_201 = scf.for %while3A_351 = %while3A_193 to %while3A_199 step %while3A_200 iter_args(%while3A_352 = %while3A_157) -> (vector<3x256xf32>)  : i32 {
      %mul3A_353 = arith.constant 128 : i32
      %mul3A_354 = arith.muli %while3A_351, %mul3A_353 : i32
      %add3A_355 = arith.addi %get3A_160, %mul3A_354 : i32
      %multiple_of3A = tpu.assume_multiple %add3A_355, 8 : i32
      %get3A_356 = arith.index_cast %multiple_of3A : i32 to index
      %get3A_357 = arith.constant 0 : index
      %get3A_358 = vector.load %arg4[%get3A_356, %get3A_357] : memref<6016x8xf32, #tpu.memory_space<vmem>>, vector<128x8xf32>
      %transpose3A = tpu.transpose %get3A_358, [1, 0] : vector<128x8xf32> -> vector<8x128xf32>
      %slice3A = vector.extract_strided_slice %transpose3A {offsets = [0, 0], sizes = [1, 128], strides = [1, 1]} : vector<8x128xf32> to vector<1x128xf32>
      %sub3A_359 = vector.broadcast %add3A_4 : f32 to vector<1x128xf32>
      %sub3A_360 = arith.subf %slice3A, %sub3A_359 : vector<1x128xf32>
      %slice3A_361 = vector.extract_strided_slice %transpose3A {offsets = [1, 0], sizes = [1, 128], strides = [1, 1]} : vector<8x128xf32> to vector<1x128xf32>
      %sub3A_362 = vector.broadcast %add3A_9 : f32 to vector<1x128xf32>
      %sub3A_363 = arith.subf %slice3A_361, %sub3A_362 : vector<1x128xf32>
      %slice3A_364 = vector.extract_strided_slice %transpose3A {offsets = [2, 0], sizes = [1, 128], strides = [1, 1]} : vector<8x128xf32> to vector<1x128xf32>
      %slice3A_365 = vector.extract_strided_slice %transpose3A {offsets = [3, 0], sizes = [1, 128], strides = [1, 1]} : vector<8x128xf32> to vector<1x128xf32>
      %slice3A_366 = vector.extract_strided_slice %transpose3A {offsets = [4, 0], sizes = [1, 128], strides = [1, 1]} : vector<8x128xf32> to vector<1x128xf32>
      %mul3A_367 = arith.constant 5.000000e-01 : f32
      %mul3A_368 = vector.broadcast %mul3A_367 : f32 to vector<1x128xf32>
      %mul3A_369 = arith.mulf %mul3A_368, %slice3A_364 : vector<1x128xf32>
      %mul3A_370 = arith.mulf %slice3A_364, %sub3A_360 : vector<1x128xf32>
      %mul3A_371 = arith.mulf %slice3A_365, %sub3A_363 : vector<1x128xf32>
      %add3A_372 = arith.addf %mul3A_370, %mul3A_371 : vector<1x128xf32>
      %neg3A = arith.constant 0.000000e+00 : f32
      %neg3A_373 = vector.broadcast %neg3A : f32 to vector<1x128xf32>
      %neg3A_374 = arith.subf %neg3A_373, %add3A_372 : vector<1x128xf32>
      %mul3A_375 = arith.constant 5.000000e-01 : f32
      %mul3A_376 = vector.broadcast %mul3A_375 : f32 to vector<1x128xf32>
      %mul3A_377 = arith.mulf %mul3A_376, %slice3A_366 : vector<1x128xf32>
      %mul3A_378 = arith.mulf %slice3A_366, %sub3A_363 : vector<1x128xf32>
      %mul3A_379 = arith.mulf %slice3A_365, %sub3A_360 : vector<1x128xf32>
      %add3A_380 = arith.addf %mul3A_378, %mul3A_379 : vector<1x128xf32>
      %neg3A_381 = arith.constant 0.000000e+00 : f32
      %neg3A_382 = vector.broadcast %neg3A_381 : f32 to vector<1x128xf32>
      %neg3A_383 = arith.subf %neg3A_382, %add3A_380 : vector<1x128xf32>
      %mul3A_384 = arith.constant 5.000000e-01 : f32
      %mul3A_385 = vector.broadcast %mul3A_384 : f32 to vector<1x128xf32>
      %mul3A_386 = arith.mulf %mul3A_385, %slice3A_364 : vector<1x128xf32>
      %mul3A_387 = arith.mulf %mul3A_386, %sub3A_360 : vector<1x128xf32>
      %mul3A_388 = arith.mulf %mul3A_387, %sub3A_360 : vector<1x128xf32>
      %mul3A_389 = arith.constant 5.000000e-01 : f32
      %mul3A_390 = vector.broadcast %mul3A_389 : f32 to vector<1x128xf32>
      %mul3A_391 = arith.mulf %mul3A_390, %slice3A_366 : vector<1x128xf32>
      %mul3A_392 = arith.mulf %mul3A_391, %sub3A_363 : vector<1x128xf32>
      %mul3A_393 = arith.mulf %mul3A_392, %sub3A_363 : vector<1x128xf32>
      %add3A_394 = arith.addf %mul3A_388, %mul3A_393 : vector<1x128xf32>
      %mul3A_395 = arith.mulf %slice3A_365, %sub3A_360 : vector<1x128xf32>
      %mul3A_396 = arith.mulf %mul3A_395, %sub3A_363 : vector<1x128xf32>
      %add3A_397 = arith.addf %add3A_394, %mul3A_396 : vector<1x128xf32>
      %concatenate3A_398 = tpu.concatenate %mul3A_369, %neg3A_374, %mul3A_377, %neg3A_383, %slice3A_365, %add3A_397 in 0 : vector<1x128xf32>, vector<1x128xf32>, vector<1x128xf32>, vector<1x128xf32>, vector<1x128xf32>, vector<1x128xf32> -> vector<6x128xf32>
      %dot_general3A = arith.constant dense<0.000000e+00> : vector<256x128xf32>
      %dot_general3A_399 = tpu.matmul %concatenate3A, %concatenate3A_398, %dot_general3A {dimension_numbers = #tpu.dot_dimension_numbers<[1], [0], [0], [1], [0, 0, 1, 1], [], []>, transpose_lhs_hint = false} : vector<256x6xf32>, vector<6x128xf32>, vector<256x128xf32> -> vector<256x128xf32>
      %ge3A = arith.constant 0.000000e+00 : f32
      %ge3A_400 = vector.broadcast %ge3A : f32 to vector<256x128xf32>
      %ge3A_401 = arith.cmpf oge, %dot_general3A_399, %ge3A_400 : vector<256x128xf32>
      %neg3A_402 = arith.constant 0.000000e+00 : f32
      %neg3A_403 = vector.broadcast %neg3A_402 : f32 to vector<256x128xf32>
      %neg3A_404 = arith.subf %neg3A_403, %dot_general3A_399 : vector<256x128xf32>
      %exp3A = math.exp %neg3A_404 : vector<256x128xf32>
      %jit3A_405 = arith.constant 0.000000e+00 : f32
      %broadcast_in_dim3A_406 = vector.broadcast %jit3A_405 : f32 to vector<256x128xf32>
      %select_n3A_407 = arith.select %ge3A_401, %exp3A, %broadcast_in_dim3A_406 : vector<256x128xi1>, vector<256x128xf32>
      %add3A_408 = vector.broadcast %multiple_of3A : i32 to vector<1x128xi32>
      %add3A_409 = arith.addi %iota3A_25, %add3A_408 : vector<1x128xi32>
      %lt3A = vector.broadcast %get3A_163 : i32 to vector<1x128xi32>
      %lt3A_410 = arith.cmpi slt, %add3A_409, %lt3A : vector<1x128xi32>
      %slice3A_411 = vector.extract_strided_slice %transpose3A {offsets = [5, 0], sizes = [3, 128], strides = [1, 1]} : vector<8x128xf32> to vector<3x128xf32>
      %jit3A_412 = arith.constant 0.000000e+00 : f32
      %broadcast_in_dim3A_413 = vector.shape_cast %lt3A_410 : vector<1x128xi1> to vector<1x128xi1>
      %broadcast_in_dim3A_414 = vector.broadcast %broadcast_in_dim3A_413 : vector<1x128xi1> to vector<3x128xi1>
      %broadcast_in_dim3A_415 = vector.broadcast %jit3A_412 : f32 to vector<3x128xf32>
      %select_n3A_416 = arith.select %broadcast_in_dim3A_414, %slice3A_411, %broadcast_in_dim3A_415 : vector<3x128xi1>, vector<3x128xf32>
      %dot_general3A_417 = arith.constant dense<0.000000e+00> : vector<3x256xf32>
      %dot_general3A_418 = tpu.matmul %select_n3A_416, %select_n3A_407, %dot_general3A_417 {dimension_numbers = #tpu.dot_dimension_numbers<[1], [1], [0], [0], [0, 0, 1, 0], [], []>, transpose_lhs_hint = false} : vector<3x128xf32>, vector<256x128xf32>, vector<3x256xf32> -> vector<3x256xf32>
      %add3A_419 = arith.addf %while3A_352, %dot_general3A_418 : vector<3x256xf32>
      scf.yield %add3A_419 : vector<3x256xf32>
    }
    %while3A_202 = arith.constant 1 : i32
    %while3A_203 = scf.for %while3A_351 = %while3A_199 to %while3A_195 step %while3A_202 iter_args(%while3A_352 = %while3A_201) -> (vector<3x256xf32>)  : i32 {
      %mul3A_353 = arith.constant 128 : i32
      %mul3A_354 = arith.muli %while3A_351, %mul3A_353 : i32
      %add3A_355 = arith.addi %get3A_160, %mul3A_354 : i32
      %multiple_of3A = tpu.assume_multiple %add3A_355, 8 : i32
      %get3A_356 = arith.index_cast %multiple_of3A : i32 to index
      %get3A_357 = arith.constant 0 : index
      %get3A_358 = vector.load %arg4[%get3A_356, %get3A_357] : memref<6016x8xf32, #tpu.memory_space<vmem>>, vector<128x8xf32>
      %transpose3A = tpu.transpose %get3A_358, [1, 0] : vector<128x8xf32> -> vector<8x128xf32>
      %slice3A = vector.extract_strided_slice %transpose3A {offsets = [0, 0], sizes = [1, 128], strides = [1, 1]} : vector<8x128xf32> to vector<1x128xf32>
      %sub3A_359 = vector.broadcast %add3A_4 : f32 to vector<1x128xf32>
      %sub3A_360 = arith.subf %slice3A, %sub3A_359 : vector<1x128xf32>
      %slice3A_361 = vector.extract_strided_slice %transpose3A {offsets = [1, 0], sizes = [1, 128], strides = [1, 1]} : vector<8x128xf32> to vector<1x128xf32>
      %sub3A_362 = vector.broadcast %add3A_9 : f32 to vector<1x128xf32>
      %sub3A_363 = arith.subf %slice3A_361, %sub3A_362 : vector<1x128xf32>
      %slice3A_364 = vector.extract_strided_slice %transpose3A {offsets = [2, 0], sizes = [1, 128], strides = [1, 1]} : vector<8x128xf32> to vector<1x128xf32>
      %slice3A_365 = vector.extract_strided_slice %transpose3A {offsets = [3, 0], sizes = [1, 128], strides = [1, 1]} : vector<8x128xf32> to vector<1x128xf32>
      %slice3A_366 = vector.extract_strided_slice %transpose3A {offsets = [4, 0], sizes = [1, 128], strides = [1, 1]} : vector<8x128xf32> to vector<1x128xf32>
      %mul3A_367 = arith.constant 5.000000e-01 : f32
      %mul3A_368 = vector.broadcast %mul3A_367 : f32 to vector<1x128xf32>
      %mul3A_369 = arith.mulf %mul3A_368, %slice3A_364 : vector<1x128xf32>
      %mul3A_370 = arith.mulf %slice3A_364, %sub3A_360 : vector<1x128xf32>
      %mul3A_371 = arith.mulf %slice3A_365, %sub3A_363 : vector<1x128xf32>
      %add3A_372 = arith.addf %mul3A_370, %mul3A_371 : vector<1x128xf32>
      %neg3A = arith.constant 0.000000e+00 : f32
      %neg3A_373 = vector.broadcast %neg3A : f32 to vector<1x128xf32>
      %neg3A_374 = arith.subf %neg3A_373, %add3A_372 : vector<1x128xf32>
      %mul3A_375 = arith.constant 5.000000e-01 : f32
      %mul3A_376 = vector.broadcast %mul3A_375 : f32 to vector<1x128xf32>
      %mul3A_377 = arith.mulf %mul3A_376, %slice3A_366 : vector<1x128xf32>
      %mul3A_378 = arith.mulf %slice3A_366, %sub3A_363 : vector<1x128xf32>
      %mul3A_379 = arith.mulf %slice3A_365, %sub3A_360 : vector<1x128xf32>
      %add3A_380 = arith.addf %mul3A_378, %mul3A_379 : vector<1x128xf32>
      %neg3A_381 = arith.constant 0.000000e+00 : f32
      %neg3A_382 = vector.broadcast %neg3A_381 : f32 to vector<1x128xf32>
      %neg3A_383 = arith.subf %neg3A_382, %add3A_380 : vector<1x128xf32>
      %mul3A_384 = arith.constant 5.000000e-01 : f32
      %mul3A_385 = vector.broadcast %mul3A_384 : f32 to vector<1x128xf32>
      %mul3A_386 = arith.mulf %mul3A_385, %slice3A_364 : vector<1x128xf32>
      %mul3A_387 = arith.mulf %mul3A_386, %sub3A_360 : vector<1x128xf32>
      %mul3A_388 = arith.mulf %mul3A_387, %sub3A_360 : vector<1x128xf32>
      %mul3A_389 = arith.constant 5.000000e-01 : f32
      %mul3A_390 = vector.broadcast %mul3A_389 : f32 to vector<1x128xf32>
      %mul3A_391 = arith.mulf %mul3A_390, %slice3A_366 : vector<1x128xf32>
      %mul3A_392 = arith.mulf %mul3A_391, %sub3A_363 : vector<1x128xf32>
      %mul3A_393 = arith.mulf %mul3A_392, %sub3A_363 : vector<1x128xf32>
      %add3A_394 = arith.addf %mul3A_388, %mul3A_393 : vector<1x128xf32>
      %mul3A_395 = arith.mulf %slice3A_365, %sub3A_360 : vector<1x128xf32>
      %mul3A_396 = arith.mulf %mul3A_395, %sub3A_363 : vector<1x128xf32>
      %add3A_397 = arith.addf %add3A_394, %mul3A_396 : vector<1x128xf32>
      %concatenate3A_398 = tpu.concatenate %mul3A_369, %neg3A_374, %mul3A_377, %neg3A_383, %slice3A_365, %add3A_397 in 0 : vector<1x128xf32>, vector<1x128xf32>, vector<1x128xf32>, vector<1x128xf32>, vector<1x128xf32>, vector<1x128xf32> -> vector<6x128xf32>
      %dot_general3A = arith.constant dense<0.000000e+00> : vector<256x128xf32>
      %dot_general3A_399 = tpu.matmul %concatenate3A, %concatenate3A_398, %dot_general3A {dimension_numbers = #tpu.dot_dimension_numbers<[1], [0], [0], [1], [0, 0, 1, 1], [], []>, transpose_lhs_hint = false} : vector<256x6xf32>, vector<6x128xf32>, vector<256x128xf32> -> vector<256x128xf32>
      %ge3A = arith.constant 0.000000e+00 : f32
      %ge3A_400 = vector.broadcast %ge3A : f32 to vector<256x128xf32>
      %ge3A_401 = arith.cmpf oge, %dot_general3A_399, %ge3A_400 : vector<256x128xf32>
      %neg3A_402 = arith.constant 0.000000e+00 : f32
      %neg3A_403 = vector.broadcast %neg3A_402 : f32 to vector<256x128xf32>
      %neg3A_404 = arith.subf %neg3A_403, %dot_general3A_399 : vector<256x128xf32>
      %exp3A = math.exp %neg3A_404 : vector<256x128xf32>
      %jit3A_405 = arith.constant 0.000000e+00 : f32
      %broadcast_in_dim3A_406 = vector.broadcast %jit3A_405 : f32 to vector<256x128xf32>
      %select_n3A_407 = arith.select %ge3A_401, %exp3A, %broadcast_in_dim3A_406 : vector<256x128xi1>, vector<256x128xf32>
      %add3A_408 = vector.broadcast %multiple_of3A : i32 to vector<1x128xi32>
      %add3A_409 = arith.addi %iota3A_25, %add3A_408 : vector<1x128xi32>
      %lt3A = vector.broadcast %get3A_163 : i32 to vector<1x128xi32>
      %lt3A_410 = arith.cmpi slt, %add3A_409, %lt3A : vector<1x128xi32>
      %slice3A_411 = vector.extract_strided_slice %transpose3A {offsets = [5, 0], sizes = [3, 128], strides = [1, 1]} : vector<8x128xf32> to vector<3x128xf32>
      %jit3A_412 = arith.constant 0.000000e+00 : f32
      %broadcast_in_dim3A_413 = vector.shape_cast %lt3A_410 : vector<1x128xi1> to vector<1x128xi1>
      %broadcast_in_dim3A_414 = vector.broadcast %broadcast_in_dim3A_413 : vector<1x128xi1> to vector<3x128xi1>
      %broadcast_in_dim3A_415 = vector.broadcast %jit3A_412 : f32 to vector<3x128xf32>
      %select_n3A_416 = arith.select %broadcast_in_dim3A_414, %slice3A_411, %broadcast_in_dim3A_415 : vector<3x128xi1>, vector<3x128xf32>
      %dot_general3A_417 = arith.constant dense<0.000000e+00> : vector<3x256xf32>
      %dot_general3A_418 = tpu.matmul %select_n3A_416, %select_n3A_407, %dot_general3A_417 {dimension_numbers = #tpu.dot_dimension_numbers<[1], [1], [0], [0], [0, 0, 1, 0], [], []>, transpose_lhs_hint = false} : vector<3x128xf32>, vector<256x128xf32>, vector<3x256xf32> -> vector<3x256xf32>
      %add3A_419 = arith.addf %while3A_352, %dot_general3A_418 : vector<3x256xf32>
      scf.yield %add3A_419 : vector<3x256xf32>
    }
    %get3A_204 = arith.index_cast %add3A : i32 to index
    %get3A_205 = arith.constant 4 : index
    %get3A_206 = memref.load %arg2[%get3A_204, %get3A_205] : memref<256x7xi32, #tpu.memory_space<smem>>
    %get3A_207 = arith.index_cast %add3A : i32 to index
    %get3A_208 = arith.constant 4 : index
    %get3A_209 = memref.load %arg3[%get3A_207, %get3A_208] : memref<256x7xi32, #tpu.memory_space<smem>>
    %sub3A_210 = arith.subi %get3A_209, %get3A_206 : i32
    %add3A_211 = arith.constant 128 : i32
    %add3A_212 = arith.addi %sub3A_210, %add3A_211 : i32
    %sub3A_213 = arith.constant 1 : i32
    %sub3A_214 = arith.subi %add3A_212, %sub3A_213 : i32
    %jit3A_215 = arith.constant 128 : i32
    %div3A_216 = arith.divsi %sub3A_214, %jit3A_215 : i32
    %sign3A_217 = arith.constant 0 : i32
    %sign3A_218 = arith.cmpi sgt, %sub3A_214, %sign3A_217 : i32
    %sign3A_219 = arith.extui %sign3A_218 : i1 to i32
    %sign3A_220 = arith.constant 0 : i32
    %sign3A_221 = arith.cmpi slt, %sub3A_214, %sign3A_220 : i32
    %sign3A_222 = arith.extui %sign3A_221 : i1 to i32
    %sign3A_223 = arith.subi %sign3A_219, %sign3A_222 : i32
    %sign3A_224 = arith.constant 0 : i32
    %sign3A_225 = arith.cmpi sgt, %jit3A_215, %sign3A_224 : i32
    %sign3A_226 = arith.extui %sign3A_225 : i1 to i32
    %sign3A_227 = arith.constant 0 : i32
    %sign3A_228 = arith.cmpi slt, %jit3A_215, %sign3A_227 : i32
    %sign3A_229 = arith.extui %sign3A_228 : i1 to i32
    %sign3A_230 = arith.subi %sign3A_226, %sign3A_229 : i32
    %ne3A_231 = arith.cmpi ne, %sign3A_223, %sign3A_230 : i32
    %rem3A_232 = arith.remsi %sub3A_214, %jit3A_215 : i32
    %ne3A_233 = arith.constant 0 : i32
    %ne3A_234 = arith.cmpi ne, %rem3A_232, %ne3A_233 : i32
    %and3A_235 = arith.andi %ne3A_231, %ne3A_234 : i1
    %sub3A_236 = arith.constant 1 : i32
    %sub3A_237 = arith.subi %div3A_216, %sub3A_236 : i32
    %select_n3A_238 = arith.select %and3A_235, %sub3A_237, %div3A_216 : i32
    %while3A_239 = arith.constant 0 : i32
    %while3A_240 = arith.subi %select_n3A_238, %while3A_239 : i32
    %while3A_241 = arith.addi %while3A_239, %while3A_240 : i32
    %while3A_242 = arith.constant 1 : i32
    %while3A_243 = arith.divsi %while3A_240, %while3A_242 : i32
    %while3A_244 = arith.muli %while3A_243, %while3A_242 : i32
    %while3A_245 = arith.addi %while3A_239, %while3A_244 : i32
    %while3A_246 = arith.constant 1 : i32
    %while3A_247 = scf.for %while3A_351 = %while3A_239 to %while3A_245 step %while3A_246 iter_args(%while3A_352 = %while3A_203) -> (vector<3x256xf32>)  : i32 {
      %mul3A_353 = arith.constant 128 : i32
      %mul3A_354 = arith.muli %while3A_351, %mul3A_353 : i32
      %add3A_355 = arith.addi %get3A_206, %mul3A_354 : i32
      %multiple_of3A = tpu.assume_multiple %add3A_355, 8 : i32
      %get3A_356 = arith.index_cast %multiple_of3A : i32 to index
      %get3A_357 = arith.constant 0 : index
      %get3A_358 = vector.load %arg4[%get3A_356, %get3A_357] : memref<6016x8xf32, #tpu.memory_space<vmem>>, vector<128x8xf32>
      %transpose3A = tpu.transpose %get3A_358, [1, 0] : vector<128x8xf32> -> vector<8x128xf32>
      %slice3A = vector.extract_strided_slice %transpose3A {offsets = [0, 0], sizes = [1, 128], strides = [1, 1]} : vector<8x128xf32> to vector<1x128xf32>
      %sub3A_359 = vector.broadcast %add3A_4 : f32 to vector<1x128xf32>
      %sub3A_360 = arith.subf %slice3A, %sub3A_359 : vector<1x128xf32>
      %slice3A_361 = vector.extract_strided_slice %transpose3A {offsets = [1, 0], sizes = [1, 128], strides = [1, 1]} : vector<8x128xf32> to vector<1x128xf32>
      %sub3A_362 = vector.broadcast %add3A_9 : f32 to vector<1x128xf32>
      %sub3A_363 = arith.subf %slice3A_361, %sub3A_362 : vector<1x128xf32>
      %slice3A_364 = vector.extract_strided_slice %transpose3A {offsets = [2, 0], sizes = [1, 128], strides = [1, 1]} : vector<8x128xf32> to vector<1x128xf32>
      %slice3A_365 = vector.extract_strided_slice %transpose3A {offsets = [3, 0], sizes = [1, 128], strides = [1, 1]} : vector<8x128xf32> to vector<1x128xf32>
      %slice3A_366 = vector.extract_strided_slice %transpose3A {offsets = [4, 0], sizes = [1, 128], strides = [1, 1]} : vector<8x128xf32> to vector<1x128xf32>
      %mul3A_367 = arith.constant 5.000000e-01 : f32
      %mul3A_368 = vector.broadcast %mul3A_367 : f32 to vector<1x128xf32>
      %mul3A_369 = arith.mulf %mul3A_368, %slice3A_364 : vector<1x128xf32>
      %mul3A_370 = arith.mulf %slice3A_364, %sub3A_360 : vector<1x128xf32>
      %mul3A_371 = arith.mulf %slice3A_365, %sub3A_363 : vector<1x128xf32>
      %add3A_372 = arith.addf %mul3A_370, %mul3A_371 : vector<1x128xf32>
      %neg3A = arith.constant 0.000000e+00 : f32
      %neg3A_373 = vector.broadcast %neg3A : f32 to vector<1x128xf32>
      %neg3A_374 = arith.subf %neg3A_373, %add3A_372 : vector<1x128xf32>
      %mul3A_375 = arith.constant 5.000000e-01 : f32
      %mul3A_376 = vector.broadcast %mul3A_375 : f32 to vector<1x128xf32>
      %mul3A_377 = arith.mulf %mul3A_376, %slice3A_366 : vector<1x128xf32>
      %mul3A_378 = arith.mulf %slice3A_366, %sub3A_363 : vector<1x128xf32>
      %mul3A_379 = arith.mulf %slice3A_365, %sub3A_360 : vector<1x128xf32>
      %add3A_380 = arith.addf %mul3A_378, %mul3A_379 : vector<1x128xf32>
      %neg3A_381 = arith.constant 0.000000e+00 : f32
      %neg3A_382 = vector.broadcast %neg3A_381 : f32 to vector<1x128xf32>
      %neg3A_383 = arith.subf %neg3A_382, %add3A_380 : vector<1x128xf32>
      %mul3A_384 = arith.constant 5.000000e-01 : f32
      %mul3A_385 = vector.broadcast %mul3A_384 : f32 to vector<1x128xf32>
      %mul3A_386 = arith.mulf %mul3A_385, %slice3A_364 : vector<1x128xf32>
      %mul3A_387 = arith.mulf %mul3A_386, %sub3A_360 : vector<1x128xf32>
      %mul3A_388 = arith.mulf %mul3A_387, %sub3A_360 : vector<1x128xf32>
      %mul3A_389 = arith.constant 5.000000e-01 : f32
      %mul3A_390 = vector.broadcast %mul3A_389 : f32 to vector<1x128xf32>
      %mul3A_391 = arith.mulf %mul3A_390, %slice3A_366 : vector<1x128xf32>
      %mul3A_392 = arith.mulf %mul3A_391, %sub3A_363 : vector<1x128xf32>
      %mul3A_393 = arith.mulf %mul3A_392, %sub3A_363 : vector<1x128xf32>
      %add3A_394 = arith.addf %mul3A_388, %mul3A_393 : vector<1x128xf32>
      %mul3A_395 = arith.mulf %slice3A_365, %sub3A_360 : vector<1x128xf32>
      %mul3A_396 = arith.mulf %mul3A_395, %sub3A_363 : vector<1x128xf32>
      %add3A_397 = arith.addf %add3A_394, %mul3A_396 : vector<1x128xf32>
      %concatenate3A_398 = tpu.concatenate %mul3A_369, %neg3A_374, %mul3A_377, %neg3A_383, %slice3A_365, %add3A_397 in 0 : vector<1x128xf32>, vector<1x128xf32>, vector<1x128xf32>, vector<1x128xf32>, vector<1x128xf32>, vector<1x128xf32> -> vector<6x128xf32>
      %dot_general3A = arith.constant dense<0.000000e+00> : vector<256x128xf32>
      %dot_general3A_399 = tpu.matmul %concatenate3A, %concatenate3A_398, %dot_general3A {dimension_numbers = #tpu.dot_dimension_numbers<[1], [0], [0], [1], [0, 0, 1, 1], [], []>, transpose_lhs_hint = false} : vector<256x6xf32>, vector<6x128xf32>, vector<256x128xf32> -> vector<256x128xf32>
      %ge3A = arith.constant 0.000000e+00 : f32
      %ge3A_400 = vector.broadcast %ge3A : f32 to vector<256x128xf32>
      %ge3A_401 = arith.cmpf oge, %dot_general3A_399, %ge3A_400 : vector<256x128xf32>
      %neg3A_402 = arith.constant 0.000000e+00 : f32
      %neg3A_403 = vector.broadcast %neg3A_402 : f32 to vector<256x128xf32>
      %neg3A_404 = arith.subf %neg3A_403, %dot_general3A_399 : vector<256x128xf32>
      %exp3A = math.exp %neg3A_404 : vector<256x128xf32>
      %jit3A_405 = arith.constant 0.000000e+00 : f32
      %broadcast_in_dim3A_406 = vector.broadcast %jit3A_405 : f32 to vector<256x128xf32>
      %select_n3A_407 = arith.select %ge3A_401, %exp3A, %broadcast_in_dim3A_406 : vector<256x128xi1>, vector<256x128xf32>
      %add3A_408 = vector.broadcast %multiple_of3A : i32 to vector<1x128xi32>
      %add3A_409 = arith.addi %iota3A_25, %add3A_408 : vector<1x128xi32>
      %lt3A = vector.broadcast %get3A_209 : i32 to vector<1x128xi32>
      %lt3A_410 = arith.cmpi slt, %add3A_409, %lt3A : vector<1x128xi32>
      %slice3A_411 = vector.extract_strided_slice %transpose3A {offsets = [5, 0], sizes = [3, 128], strides = [1, 1]} : vector<8x128xf32> to vector<3x128xf32>
      %jit3A_412 = arith.constant 0.000000e+00 : f32
      %broadcast_in_dim3A_413 = vector.shape_cast %lt3A_410 : vector<1x128xi1> to vector<1x128xi1>
      %broadcast_in_dim3A_414 = vector.broadcast %broadcast_in_dim3A_413 : vector<1x128xi1> to vector<3x128xi1>
      %broadcast_in_dim3A_415 = vector.broadcast %jit3A_412 : f32 to vector<3x128xf32>
      %select_n3A_416 = arith.select %broadcast_in_dim3A_414, %slice3A_411, %broadcast_in_dim3A_415 : vector<3x128xi1>, vector<3x128xf32>
      %dot_general3A_417 = arith.constant dense<0.000000e+00> : vector<3x256xf32>
      %dot_general3A_418 = tpu.matmul %select_n3A_416, %select_n3A_407, %dot_general3A_417 {dimension_numbers = #tpu.dot_dimension_numbers<[1], [1], [0], [0], [0, 0, 1, 0], [], []>, transpose_lhs_hint = false} : vector<3x128xf32>, vector<256x128xf32>, vector<3x256xf32> -> vector<3x256xf32>
      %add3A_419 = arith.addf %while3A_352, %dot_general3A_418 : vector<3x256xf32>
      scf.yield %add3A_419 : vector<3x256xf32>
    }
    %while3A_248 = arith.constant 1 : i32
    %while3A_249 = scf.for %while3A_351 = %while3A_245 to %while3A_241 step %while3A_248 iter_args(%while3A_352 = %while3A_247) -> (vector<3x256xf32>)  : i32 {
      %mul3A_353 = arith.constant 128 : i32
      %mul3A_354 = arith.muli %while3A_351, %mul3A_353 : i32
      %add3A_355 = arith.addi %get3A_206, %mul3A_354 : i32
      %multiple_of3A = tpu.assume_multiple %add3A_355, 8 : i32
      %get3A_356 = arith.index_cast %multiple_of3A : i32 to index
      %get3A_357 = arith.constant 0 : index
      %get3A_358 = vector.load %arg4[%get3A_356, %get3A_357] : memref<6016x8xf32, #tpu.memory_space<vmem>>, vector<128x8xf32>
      %transpose3A = tpu.transpose %get3A_358, [1, 0] : vector<128x8xf32> -> vector<8x128xf32>
      %slice3A = vector.extract_strided_slice %transpose3A {offsets = [0, 0], sizes = [1, 128], strides = [1, 1]} : vector<8x128xf32> to vector<1x128xf32>
      %sub3A_359 = vector.broadcast %add3A_4 : f32 to vector<1x128xf32>
      %sub3A_360 = arith.subf %slice3A, %sub3A_359 : vector<1x128xf32>
      %slice3A_361 = vector.extract_strided_slice %transpose3A {offsets = [1, 0], sizes = [1, 128], strides = [1, 1]} : vector<8x128xf32> to vector<1x128xf32>
      %sub3A_362 = vector.broadcast %add3A_9 : f32 to vector<1x128xf32>
      %sub3A_363 = arith.subf %slice3A_361, %sub3A_362 : vector<1x128xf32>
      %slice3A_364 = vector.extract_strided_slice %transpose3A {offsets = [2, 0], sizes = [1, 128], strides = [1, 1]} : vector<8x128xf32> to vector<1x128xf32>
      %slice3A_365 = vector.extract_strided_slice %transpose3A {offsets = [3, 0], sizes = [1, 128], strides = [1, 1]} : vector<8x128xf32> to vector<1x128xf32>
      %slice3A_366 = vector.extract_strided_slice %transpose3A {offsets = [4, 0], sizes = [1, 128], strides = [1, 1]} : vector<8x128xf32> to vector<1x128xf32>
      %mul3A_367 = arith.constant 5.000000e-01 : f32
      %mul3A_368 = vector.broadcast %mul3A_367 : f32 to vector<1x128xf32>
      %mul3A_369 = arith.mulf %mul3A_368, %slice3A_364 : vector<1x128xf32>
      %mul3A_370 = arith.mulf %slice3A_364, %sub3A_360 : vector<1x128xf32>
      %mul3A_371 = arith.mulf %slice3A_365, %sub3A_363 : vector<1x128xf32>
      %add3A_372 = arith.addf %mul3A_370, %mul3A_371 : vector<1x128xf32>
      %neg3A = arith.constant 0.000000e+00 : f32
      %neg3A_373 = vector.broadcast %neg3A : f32 to vector<1x128xf32>
      %neg3A_374 = arith.subf %neg3A_373, %add3A_372 : vector<1x128xf32>
      %mul3A_375 = arith.constant 5.000000e-01 : f32
      %mul3A_376 = vector.broadcast %mul3A_375 : f32 to vector<1x128xf32>
      %mul3A_377 = arith.mulf %mul3A_376, %slice3A_366 : vector<1x128xf32>
      %mul3A_378 = arith.mulf %slice3A_366, %sub3A_363 : vector<1x128xf32>
      %mul3A_379 = arith.mulf %slice3A_365, %sub3A_360 : vector<1x128xf32>
      %add3A_380 = arith.addf %mul3A_378, %mul3A_379 : vector<1x128xf32>
      %neg3A_381 = arith.constant 0.000000e+00 : f32
      %neg3A_382 = vector.broadcast %neg3A_381 : f32 to vector<1x128xf32>
      %neg3A_383 = arith.subf %neg3A_382, %add3A_380 : vector<1x128xf32>
      %mul3A_384 = arith.constant 5.000000e-01 : f32
      %mul3A_385 = vector.broadcast %mul3A_384 : f32 to vector<1x128xf32>
      %mul3A_386 = arith.mulf %mul3A_385, %slice3A_364 : vector<1x128xf32>
      %mul3A_387 = arith.mulf %mul3A_386, %sub3A_360 : vector<1x128xf32>
      %mul3A_388 = arith.mulf %mul3A_387, %sub3A_360 : vector<1x128xf32>
      %mul3A_389 = arith.constant 5.000000e-01 : f32
      %mul3A_390 = vector.broadcast %mul3A_389 : f32 to vector<1x128xf32>
      %mul3A_391 = arith.mulf %mul3A_390, %slice3A_366 : vector<1x128xf32>
      %mul3A_392 = arith.mulf %mul3A_391, %sub3A_363 : vector<1x128xf32>
      %mul3A_393 = arith.mulf %mul3A_392, %sub3A_363 : vector<1x128xf32>
      %add3A_394 = arith.addf %mul3A_388, %mul3A_393 : vector<1x128xf32>
      %mul3A_395 = arith.mulf %slice3A_365, %sub3A_360 : vector<1x128xf32>
      %mul3A_396 = arith.mulf %mul3A_395, %sub3A_363 : vector<1x128xf32>
      %add3A_397 = arith.addf %add3A_394, %mul3A_396 : vector<1x128xf32>
      %concatenate3A_398 = tpu.concatenate %mul3A_369, %neg3A_374, %mul3A_377, %neg3A_383, %slice3A_365, %add3A_397 in 0 : vector<1x128xf32>, vector<1x128xf32>, vector<1x128xf32>, vector<1x128xf32>, vector<1x128xf32>, vector<1x128xf32> -> vector<6x128xf32>
      %dot_general3A = arith.constant dense<0.000000e+00> : vector<256x128xf32>
      %dot_general3A_399 = tpu.matmul %concatenate3A, %concatenate3A_398, %dot_general3A {dimension_numbers = #tpu.dot_dimension_numbers<[1], [0], [0], [1], [0, 0, 1, 1], [], []>, transpose_lhs_hint = false} : vector<256x6xf32>, vector<6x128xf32>, vector<256x128xf32> -> vector<256x128xf32>
      %ge3A = arith.constant 0.000000e+00 : f32
      %ge3A_400 = vector.broadcast %ge3A : f32 to vector<256x128xf32>
      %ge3A_401 = arith.cmpf oge, %dot_general3A_399, %ge3A_400 : vector<256x128xf32>
      %neg3A_402 = arith.constant 0.000000e+00 : f32
      %neg3A_403 = vector.broadcast %neg3A_402 : f32 to vector<256x128xf32>
      %neg3A_404 = arith.subf %neg3A_403, %dot_general3A_399 : vector<256x128xf32>
      %exp3A = math.exp %neg3A_404 : vector<256x128xf32>
      %jit3A_405 = arith.constant 0.000000e+00 : f32
      %broadcast_in_dim3A_406 = vector.broadcast %jit3A_405 : f32 to vector<256x128xf32>
      %select_n3A_407 = arith.select %ge3A_401, %exp3A, %broadcast_in_dim3A_406 : vector<256x128xi1>, vector<256x128xf32>
      %add3A_408 = vector.broadcast %multiple_of3A : i32 to vector<1x128xi32>
      %add3A_409 = arith.addi %iota3A_25, %add3A_408 : vector<1x128xi32>
      %lt3A = vector.broadcast %get3A_209 : i32 to vector<1x128xi32>
      %lt3A_410 = arith.cmpi slt, %add3A_409, %lt3A : vector<1x128xi32>
      %slice3A_411 = vector.extract_strided_slice %transpose3A {offsets = [5, 0], sizes = [3, 128], strides = [1, 1]} : vector<8x128xf32> to vector<3x128xf32>
      %jit3A_412 = arith.constant 0.000000e+00 : f32
      %broadcast_in_dim3A_413 = vector.shape_cast %lt3A_410 : vector<1x128xi1> to vector<1x128xi1>
      %broadcast_in_dim3A_414 = vector.broadcast %broadcast_in_dim3A_413 : vector<1x128xi1> to vector<3x128xi1>
      %broadcast_in_dim3A_415 = vector.broadcast %jit3A_412 : f32 to vector<3x128xf32>
      %select_n3A_416 = arith.select %broadcast_in_dim3A_414, %slice3A_411, %broadcast_in_dim3A_415 : vector<3x128xi1>, vector<3x128xf32>
      %dot_general3A_417 = arith.constant dense<0.000000e+00> : vector<3x256xf32>
      %dot_general3A_418 = tpu.matmul %select_n3A_416, %select_n3A_407, %dot_general3A_417 {dimension_numbers = #tpu.dot_dimension_numbers<[1], [1], [0], [0], [0, 0, 1, 0], [], []>, transpose_lhs_hint = false} : vector<3x128xf32>, vector<256x128xf32>, vector<3x256xf32> -> vector<3x256xf32>
      %add3A_419 = arith.addf %while3A_352, %dot_general3A_418 : vector<3x256xf32>
      scf.yield %add3A_419 : vector<3x256xf32>
    }
    %get3A_250 = arith.index_cast %add3A : i32 to index
    %get3A_251 = arith.constant 5 : index
    %get3A_252 = memref.load %arg2[%get3A_250, %get3A_251] : memref<256x7xi32, #tpu.memory_space<smem>>
    %get3A_253 = arith.index_cast %add3A : i32 to index
    %get3A_254 = arith.constant 5 : index
    %get3A_255 = memref.load %arg3[%get3A_253, %get3A_254] : memref<256x7xi32, #tpu.memory_space<smem>>
    %sub3A_256 = arith.subi %get3A_255, %get3A_252 : i32
    %add3A_257 = arith.constant 128 : i32
    %add3A_258 = arith.addi %sub3A_256, %add3A_257 : i32
    %sub3A_259 = arith.constant 1 : i32
    %sub3A_260 = arith.subi %add3A_258, %sub3A_259 : i32
    %jit3A_261 = arith.constant 128 : i32
    %div3A_262 = arith.divsi %sub3A_260, %jit3A_261 : i32
    %sign3A_263 = arith.constant 0 : i32
    %sign3A_264 = arith.cmpi sgt, %sub3A_260, %sign3A_263 : i32
    %sign3A_265 = arith.extui %sign3A_264 : i1 to i32
    %sign3A_266 = arith.constant 0 : i32
    %sign3A_267 = arith.cmpi slt, %sub3A_260, %sign3A_266 : i32
    %sign3A_268 = arith.extui %sign3A_267 : i1 to i32
    %sign3A_269 = arith.subi %sign3A_265, %sign3A_268 : i32
    %sign3A_270 = arith.constant 0 : i32
    %sign3A_271 = arith.cmpi sgt, %jit3A_261, %sign3A_270 : i32
    %sign3A_272 = arith.extui %sign3A_271 : i1 to i32
    %sign3A_273 = arith.constant 0 : i32
    %sign3A_274 = arith.cmpi slt, %jit3A_261, %sign3A_273 : i32
    %sign3A_275 = arith.extui %sign3A_274 : i1 to i32
    %sign3A_276 = arith.subi %sign3A_272, %sign3A_275 : i32
    %ne3A_277 = arith.cmpi ne, %sign3A_269, %sign3A_276 : i32
    %rem3A_278 = arith.remsi %sub3A_260, %jit3A_261 : i32
    %ne3A_279 = arith.constant 0 : i32
    %ne3A_280 = arith.cmpi ne, %rem3A_278, %ne3A_279 : i32
    %and3A_281 = arith.andi %ne3A_277, %ne3A_280 : i1
    %sub3A_282 = arith.constant 1 : i32
    %sub3A_283 = arith.subi %div3A_262, %sub3A_282 : i32
    %select_n3A_284 = arith.select %and3A_281, %sub3A_283, %div3A_262 : i32
    %while3A_285 = arith.constant 0 : i32
    %while3A_286 = arith.subi %select_n3A_284, %while3A_285 : i32
    %while3A_287 = arith.addi %while3A_285, %while3A_286 : i32
    %while3A_288 = arith.constant 1 : i32
    %while3A_289 = arith.divsi %while3A_286, %while3A_288 : i32
    %while3A_290 = arith.muli %while3A_289, %while3A_288 : i32
    %while3A_291 = arith.addi %while3A_285, %while3A_290 : i32
    %while3A_292 = arith.constant 1 : i32
    %while3A_293 = scf.for %while3A_351 = %while3A_285 to %while3A_291 step %while3A_292 iter_args(%while3A_352 = %while3A_249) -> (vector<3x256xf32>)  : i32 {
      %mul3A_353 = arith.constant 128 : i32
      %mul3A_354 = arith.muli %while3A_351, %mul3A_353 : i32
      %add3A_355 = arith.addi %get3A_252, %mul3A_354 : i32
      %multiple_of3A = tpu.assume_multiple %add3A_355, 8 : i32
      %get3A_356 = arith.index_cast %multiple_of3A : i32 to index
      %get3A_357 = arith.constant 0 : index
      %get3A_358 = vector.load %arg4[%get3A_356, %get3A_357] : memref<6016x8xf32, #tpu.memory_space<vmem>>, vector<128x8xf32>
      %transpose3A = tpu.transpose %get3A_358, [1, 0] : vector<128x8xf32> -> vector<8x128xf32>
      %slice3A = vector.extract_strided_slice %transpose3A {offsets = [0, 0], sizes = [1, 128], strides = [1, 1]} : vector<8x128xf32> to vector<1x128xf32>
      %sub3A_359 = vector.broadcast %add3A_4 : f32 to vector<1x128xf32>
      %sub3A_360 = arith.subf %slice3A, %sub3A_359 : vector<1x128xf32>
      %slice3A_361 = vector.extract_strided_slice %transpose3A {offsets = [1, 0], sizes = [1, 128], strides = [1, 1]} : vector<8x128xf32> to vector<1x128xf32>
      %sub3A_362 = vector.broadcast %add3A_9 : f32 to vector<1x128xf32>
      %sub3A_363 = arith.subf %slice3A_361, %sub3A_362 : vector<1x128xf32>
      %slice3A_364 = vector.extract_strided_slice %transpose3A {offsets = [2, 0], sizes = [1, 128], strides = [1, 1]} : vector<8x128xf32> to vector<1x128xf32>
      %slice3A_365 = vector.extract_strided_slice %transpose3A {offsets = [3, 0], sizes = [1, 128], strides = [1, 1]} : vector<8x128xf32> to vector<1x128xf32>
      %slice3A_366 = vector.extract_strided_slice %transpose3A {offsets = [4, 0], sizes = [1, 128], strides = [1, 1]} : vector<8x128xf32> to vector<1x128xf32>
      %mul3A_367 = arith.constant 5.000000e-01 : f32
      %mul3A_368 = vector.broadcast %mul3A_367 : f32 to vector<1x128xf32>
      %mul3A_369 = arith.mulf %mul3A_368, %slice3A_364 : vector<1x128xf32>
      %mul3A_370 = arith.mulf %slice3A_364, %sub3A_360 : vector<1x128xf32>
      %mul3A_371 = arith.mulf %slice3A_365, %sub3A_363 : vector<1x128xf32>
      %add3A_372 = arith.addf %mul3A_370, %mul3A_371 : vector<1x128xf32>
      %neg3A = arith.constant 0.000000e+00 : f32
      %neg3A_373 = vector.broadcast %neg3A : f32 to vector<1x128xf32>
      %neg3A_374 = arith.subf %neg3A_373, %add3A_372 : vector<1x128xf32>
      %mul3A_375 = arith.constant 5.000000e-01 : f32
      %mul3A_376 = vector.broadcast %mul3A_375 : f32 to vector<1x128xf32>
      %mul3A_377 = arith.mulf %mul3A_376, %slice3A_366 : vector<1x128xf32>
      %mul3A_378 = arith.mulf %slice3A_366, %sub3A_363 : vector<1x128xf32>
      %mul3A_379 = arith.mulf %slice3A_365, %sub3A_360 : vector<1x128xf32>
      %add3A_380 = arith.addf %mul3A_378, %mul3A_379 : vector<1x128xf32>
      %neg3A_381 = arith.constant 0.000000e+00 : f32
      %neg3A_382 = vector.broadcast %neg3A_381 : f32 to vector<1x128xf32>
      %neg3A_383 = arith.subf %neg3A_382, %add3A_380 : vector<1x128xf32>
      %mul3A_384 = arith.constant 5.000000e-01 : f32
      %mul3A_385 = vector.broadcast %mul3A_384 : f32 to vector<1x128xf32>
      %mul3A_386 = arith.mulf %mul3A_385, %slice3A_364 : vector<1x128xf32>
      %mul3A_387 = arith.mulf %mul3A_386, %sub3A_360 : vector<1x128xf32>
      %mul3A_388 = arith.mulf %mul3A_387, %sub3A_360 : vector<1x128xf32>
      %mul3A_389 = arith.constant 5.000000e-01 : f32
      %mul3A_390 = vector.broadcast %mul3A_389 : f32 to vector<1x128xf32>
      %mul3A_391 = arith.mulf %mul3A_390, %slice3A_366 : vector<1x128xf32>
      %mul3A_392 = arith.mulf %mul3A_391, %sub3A_363 : vector<1x128xf32>
      %mul3A_393 = arith.mulf %mul3A_392, %sub3A_363 : vector<1x128xf32>
      %add3A_394 = arith.addf %mul3A_388, %mul3A_393 : vector<1x128xf32>
      %mul3A_395 = arith.mulf %slice3A_365, %sub3A_360 : vector<1x128xf32>
      %mul3A_396 = arith.mulf %mul3A_395, %sub3A_363 : vector<1x128xf32>
      %add3A_397 = arith.addf %add3A_394, %mul3A_396 : vector<1x128xf32>
      %concatenate3A_398 = tpu.concatenate %mul3A_369, %neg3A_374, %mul3A_377, %neg3A_383, %slice3A_365, %add3A_397 in 0 : vector<1x128xf32>, vector<1x128xf32>, vector<1x128xf32>, vector<1x128xf32>, vector<1x128xf32>, vector<1x128xf32> -> vector<6x128xf32>
      %dot_general3A = arith.constant dense<0.000000e+00> : vector<256x128xf32>
      %dot_general3A_399 = tpu.matmul %concatenate3A, %concatenate3A_398, %dot_general3A {dimension_numbers = #tpu.dot_dimension_numbers<[1], [0], [0], [1], [0, 0, 1, 1], [], []>, transpose_lhs_hint = false} : vector<256x6xf32>, vector<6x128xf32>, vector<256x128xf32> -> vector<256x128xf32>
      %ge3A = arith.constant 0.000000e+00 : f32
      %ge3A_400 = vector.broadcast %ge3A : f32 to vector<256x128xf32>
      %ge3A_401 = arith.cmpf oge, %dot_general3A_399, %ge3A_400 : vector<256x128xf32>
      %neg3A_402 = arith.constant 0.000000e+00 : f32
      %neg3A_403 = vector.broadcast %neg3A_402 : f32 to vector<256x128xf32>
      %neg3A_404 = arith.subf %neg3A_403, %dot_general3A_399 : vector<256x128xf32>
      %exp3A = math.exp %neg3A_404 : vector<256x128xf32>
      %jit3A_405 = arith.constant 0.000000e+00 : f32
      %broadcast_in_dim3A_406 = vector.broadcast %jit3A_405 : f32 to vector<256x128xf32>
      %select_n3A_407 = arith.select %ge3A_401, %exp3A, %broadcast_in_dim3A_406 : vector<256x128xi1>, vector<256x128xf32>
      %add3A_408 = vector.broadcast %multiple_of3A : i32 to vector<1x128xi32>
      %add3A_409 = arith.addi %iota3A_25, %add3A_408 : vector<1x128xi32>
      %lt3A = vector.broadcast %get3A_255 : i32 to vector<1x128xi32>
      %lt3A_410 = arith.cmpi slt, %add3A_409, %lt3A : vector<1x128xi32>
      %slice3A_411 = vector.extract_strided_slice %transpose3A {offsets = [5, 0], sizes = [3, 128], strides = [1, 1]} : vector<8x128xf32> to vector<3x128xf32>
      %jit3A_412 = arith.constant 0.000000e+00 : f32
      %broadcast_in_dim3A_413 = vector.shape_cast %lt3A_410 : vector<1x128xi1> to vector<1x128xi1>
      %broadcast_in_dim3A_414 = vector.broadcast %broadcast_in_dim3A_413 : vector<1x128xi1> to vector<3x128xi1>
      %broadcast_in_dim3A_415 = vector.broadcast %jit3A_412 : f32 to vector<3x128xf32>
      %select_n3A_416 = arith.select %broadcast_in_dim3A_414, %slice3A_411, %broadcast_in_dim3A_415 : vector<3x128xi1>, vector<3x128xf32>
      %dot_general3A_417 = arith.constant dense<0.000000e+00> : vector<3x256xf32>
      %dot_general3A_418 = tpu.matmul %select_n3A_416, %select_n3A_407, %dot_general3A_417 {dimension_numbers = #tpu.dot_dimension_numbers<[1], [1], [0], [0], [0, 0, 1, 0], [], []>, transpose_lhs_hint = false} : vector<3x128xf32>, vector<256x128xf32>, vector<3x256xf32> -> vector<3x256xf32>
      %add3A_419 = arith.addf %while3A_352, %dot_general3A_418 : vector<3x256xf32>
      scf.yield %add3A_419 : vector<3x256xf32>
    }
    %while3A_294 = arith.constant 1 : i32
    %while3A_295 = scf.for %while3A_351 = %while3A_291 to %while3A_287 step %while3A_294 iter_args(%while3A_352 = %while3A_293) -> (vector<3x256xf32>)  : i32 {
      %mul3A_353 = arith.constant 128 : i32
      %mul3A_354 = arith.muli %while3A_351, %mul3A_353 : i32
      %add3A_355 = arith.addi %get3A_252, %mul3A_354 : i32
      %multiple_of3A = tpu.assume_multiple %add3A_355, 8 : i32
      %get3A_356 = arith.index_cast %multiple_of3A : i32 to index
      %get3A_357 = arith.constant 0 : index
      %get3A_358 = vector.load %arg4[%get3A_356, %get3A_357] : memref<6016x8xf32, #tpu.memory_space<vmem>>, vector<128x8xf32>
      %transpose3A = tpu.transpose %get3A_358, [1, 0] : vector<128x8xf32> -> vector<8x128xf32>
      %slice3A = vector.extract_strided_slice %transpose3A {offsets = [0, 0], sizes = [1, 128], strides = [1, 1]} : vector<8x128xf32> to vector<1x128xf32>
      %sub3A_359 = vector.broadcast %add3A_4 : f32 to vector<1x128xf32>
      %sub3A_360 = arith.subf %slice3A, %sub3A_359 : vector<1x128xf32>
      %slice3A_361 = vector.extract_strided_slice %transpose3A {offsets = [1, 0], sizes = [1, 128], strides = [1, 1]} : vector<8x128xf32> to vector<1x128xf32>
      %sub3A_362 = vector.broadcast %add3A_9 : f32 to vector<1x128xf32>
      %sub3A_363 = arith.subf %slice3A_361, %sub3A_362 : vector<1x128xf32>
      %slice3A_364 = vector.extract_strided_slice %transpose3A {offsets = [2, 0], sizes = [1, 128], strides = [1, 1]} : vector<8x128xf32> to vector<1x128xf32>
      %slice3A_365 = vector.extract_strided_slice %transpose3A {offsets = [3, 0], sizes = [1, 128], strides = [1, 1]} : vector<8x128xf32> to vector<1x128xf32>
      %slice3A_366 = vector.extract_strided_slice %transpose3A {offsets = [4, 0], sizes = [1, 128], strides = [1, 1]} : vector<8x128xf32> to vector<1x128xf32>
      %mul3A_367 = arith.constant 5.000000e-01 : f32
      %mul3A_368 = vector.broadcast %mul3A_367 : f32 to vector<1x128xf32>
      %mul3A_369 = arith.mulf %mul3A_368, %slice3A_364 : vector<1x128xf32>
      %mul3A_370 = arith.mulf %slice3A_364, %sub3A_360 : vector<1x128xf32>
      %mul3A_371 = arith.mulf %slice3A_365, %sub3A_363 : vector<1x128xf32>
      %add3A_372 = arith.addf %mul3A_370, %mul3A_371 : vector<1x128xf32>
      %neg3A = arith.constant 0.000000e+00 : f32
      %neg3A_373 = vector.broadcast %neg3A : f32 to vector<1x128xf32>
      %neg3A_374 = arith.subf %neg3A_373, %add3A_372 : vector<1x128xf32>
      %mul3A_375 = arith.constant 5.000000e-01 : f32
      %mul3A_376 = vector.broadcast %mul3A_375 : f32 to vector<1x128xf32>
      %mul3A_377 = arith.mulf %mul3A_376, %slice3A_366 : vector<1x128xf32>
      %mul3A_378 = arith.mulf %slice3A_366, %sub3A_363 : vector<1x128xf32>
      %mul3A_379 = arith.mulf %slice3A_365, %sub3A_360 : vector<1x128xf32>
      %add3A_380 = arith.addf %mul3A_378, %mul3A_379 : vector<1x128xf32>
      %neg3A_381 = arith.constant 0.000000e+00 : f32
      %neg3A_382 = vector.broadcast %neg3A_381 : f32 to vector<1x128xf32>
      %neg3A_383 = arith.subf %neg3A_382, %add3A_380 : vector<1x128xf32>
      %mul3A_384 = arith.constant 5.000000e-01 : f32
      %mul3A_385 = vector.broadcast %mul3A_384 : f32 to vector<1x128xf32>
      %mul3A_386 = arith.mulf %mul3A_385, %slice3A_364 : vector<1x128xf32>
      %mul3A_387 = arith.mulf %mul3A_386, %sub3A_360 : vector<1x128xf32>
      %mul3A_388 = arith.mulf %mul3A_387, %sub3A_360 : vector<1x128xf32>
      %mul3A_389 = arith.constant 5.000000e-01 : f32
      %mul3A_390 = vector.broadcast %mul3A_389 : f32 to vector<1x128xf32>
      %mul3A_391 = arith.mulf %mul3A_390, %slice3A_366 : vector<1x128xf32>
      %mul3A_392 = arith.mulf %mul3A_391, %sub3A_363 : vector<1x128xf32>
      %mul3A_393 = arith.mulf %mul3A_392, %sub3A_363 : vector<1x128xf32>
      %add3A_394 = arith.addf %mul3A_388, %mul3A_393 : vector<1x128xf32>
      %mul3A_395 = arith.mulf %slice3A_365, %sub3A_360 : vector<1x128xf32>
      %mul3A_396 = arith.mulf %mul3A_395, %sub3A_363 : vector<1x128xf32>
      %add3A_397 = arith.addf %add3A_394, %mul3A_396 : vector<1x128xf32>
      %concatenate3A_398 = tpu.concatenate %mul3A_369, %neg3A_374, %mul3A_377, %neg3A_383, %slice3A_365, %add3A_397 in 0 : vector<1x128xf32>, vector<1x128xf32>, vector<1x128xf32>, vector<1x128xf32>, vector<1x128xf32>, vector<1x128xf32> -> vector<6x128xf32>
      %dot_general3A = arith.constant dense<0.000000e+00> : vector<256x128xf32>
      %dot_general3A_399 = tpu.matmul %concatenate3A, %concatenate3A_398, %dot_general3A {dimension_numbers = #tpu.dot_dimension_numbers<[1], [0], [0], [1], [0, 0, 1, 1], [], []>, transpose_lhs_hint = false} : vector<256x6xf32>, vector<6x128xf32>, vector<256x128xf32> -> vector<256x128xf32>
      %ge3A = arith.constant 0.000000e+00 : f32
      %ge3A_400 = vector.broadcast %ge3A : f32 to vector<256x128xf32>
      %ge3A_401 = arith.cmpf oge, %dot_general3A_399, %ge3A_400 : vector<256x128xf32>
      %neg3A_402 = arith.constant 0.000000e+00 : f32
      %neg3A_403 = vector.broadcast %neg3A_402 : f32 to vector<256x128xf32>
      %neg3A_404 = arith.subf %neg3A_403, %dot_general3A_399 : vector<256x128xf32>
      %exp3A = math.exp %neg3A_404 : vector<256x128xf32>
      %jit3A_405 = arith.constant 0.000000e+00 : f32
      %broadcast_in_dim3A_406 = vector.broadcast %jit3A_405 : f32 to vector<256x128xf32>
      %select_n3A_407 = arith.select %ge3A_401, %exp3A, %broadcast_in_dim3A_406 : vector<256x128xi1>, vector<256x128xf32>
      %add3A_408 = vector.broadcast %multiple_of3A : i32 to vector<1x128xi32>
      %add3A_409 = arith.addi %iota3A_25, %add3A_408 : vector<1x128xi32>
      %lt3A = vector.broadcast %get3A_255 : i32 to vector<1x128xi32>
      %lt3A_410 = arith.cmpi slt, %add3A_409, %lt3A : vector<1x128xi32>
      %slice3A_411 = vector.extract_strided_slice %transpose3A {offsets = [5, 0], sizes = [3, 128], strides = [1, 1]} : vector<8x128xf32> to vector<3x128xf32>
      %jit3A_412 = arith.constant 0.000000e+00 : f32
      %broadcast_in_dim3A_413 = vector.shape_cast %lt3A_410 : vector<1x128xi1> to vector<1x128xi1>
      %broadcast_in_dim3A_414 = vector.broadcast %broadcast_in_dim3A_413 : vector<1x128xi1> to vector<3x128xi1>
      %broadcast_in_dim3A_415 = vector.broadcast %jit3A_412 : f32 to vector<3x128xf32>
      %select_n3A_416 = arith.select %broadcast_in_dim3A_414, %slice3A_411, %broadcast_in_dim3A_415 : vector<3x128xi1>, vector<3x128xf32>
      %dot_general3A_417 = arith.constant dense<0.000000e+00> : vector<3x256xf32>
      %dot_general3A_418 = tpu.matmul %select_n3A_416, %select_n3A_407, %dot_general3A_417 {dimension_numbers = #tpu.dot_dimension_numbers<[1], [1], [0], [0], [0, 0, 1, 0], [], []>, transpose_lhs_hint = false} : vector<3x128xf32>, vector<256x128xf32>, vector<3x256xf32> -> vector<3x256xf32>
      %add3A_419 = arith.addf %while3A_352, %dot_general3A_418 : vector<3x256xf32>
      scf.yield %add3A_419 : vector<3x256xf32>
    }
    %get3A_296 = arith.index_cast %add3A : i32 to index
    %get3A_297 = arith.constant 6 : index
    %get3A_298 = memref.load %arg2[%get3A_296, %get3A_297] : memref<256x7xi32, #tpu.memory_space<smem>>
    %get3A_299 = arith.index_cast %add3A : i32 to index
    %get3A_300 = arith.constant 6 : index
    %get3A_301 = memref.load %arg3[%get3A_299, %get3A_300] : memref<256x7xi32, #tpu.memory_space<smem>>
    %sub3A_302 = arith.subi %get3A_301, %get3A_298 : i32
    %add3A_303 = arith.constant 128 : i32
    %add3A_304 = arith.addi %sub3A_302, %add3A_303 : i32
    %sub3A_305 = arith.constant 1 : i32
    %sub3A_306 = arith.subi %add3A_304, %sub3A_305 : i32
    %jit3A_307 = arith.constant 128 : i32
    %div3A_308 = arith.divsi %sub3A_306, %jit3A_307 : i32
    %sign3A_309 = arith.constant 0 : i32
    %sign3A_310 = arith.cmpi sgt, %sub3A_306, %sign3A_309 : i32
    %sign3A_311 = arith.extui %sign3A_310 : i1 to i32
    %sign3A_312 = arith.constant 0 : i32
    %sign3A_313 = arith.cmpi slt, %sub3A_306, %sign3A_312 : i32
    %sign3A_314 = arith.extui %sign3A_313 : i1 to i32
    %sign3A_315 = arith.subi %sign3A_311, %sign3A_314 : i32
    %sign3A_316 = arith.constant 0 : i32
    %sign3A_317 = arith.cmpi sgt, %jit3A_307, %sign3A_316 : i32
    %sign3A_318 = arith.extui %sign3A_317 : i1 to i32
    %sign3A_319 = arith.constant 0 : i32
    %sign3A_320 = arith.cmpi slt, %jit3A_307, %sign3A_319 : i32
    %sign3A_321 = arith.extui %sign3A_320 : i1 to i32
    %sign3A_322 = arith.subi %sign3A_318, %sign3A_321 : i32
    %ne3A_323 = arith.cmpi ne, %sign3A_315, %sign3A_322 : i32
    %rem3A_324 = arith.remsi %sub3A_306, %jit3A_307 : i32
    %ne3A_325 = arith.constant 0 : i32
    %ne3A_326 = arith.cmpi ne, %rem3A_324, %ne3A_325 : i32
    %and3A_327 = arith.andi %ne3A_323, %ne3A_326 : i1
    %sub3A_328 = arith.constant 1 : i32
    %sub3A_329 = arith.subi %div3A_308, %sub3A_328 : i32
    %select_n3A_330 = arith.select %and3A_327, %sub3A_329, %div3A_308 : i32
    %while3A_331 = arith.constant 0 : i32
    %while3A_332 = arith.subi %select_n3A_330, %while3A_331 : i32
    %while3A_333 = arith.addi %while3A_331, %while3A_332 : i32
    %while3A_334 = arith.constant 1 : i32
    %while3A_335 = arith.divsi %while3A_332, %while3A_334 : i32
    %while3A_336 = arith.muli %while3A_335, %while3A_334 : i32
    %while3A_337 = arith.addi %while3A_331, %while3A_336 : i32
    %while3A_338 = arith.constant 1 : i32
    %while3A_339 = scf.for %while3A_351 = %while3A_331 to %while3A_337 step %while3A_338 iter_args(%while3A_352 = %while3A_295) -> (vector<3x256xf32>)  : i32 {
      %mul3A_353 = arith.constant 128 : i32
      %mul3A_354 = arith.muli %while3A_351, %mul3A_353 : i32
      %add3A_355 = arith.addi %get3A_298, %mul3A_354 : i32
      %multiple_of3A = tpu.assume_multiple %add3A_355, 8 : i32
      %get3A_356 = arith.index_cast %multiple_of3A : i32 to index
      %get3A_357 = arith.constant 0 : index
      %get3A_358 = vector.load %arg4[%get3A_356, %get3A_357] : memref<6016x8xf32, #tpu.memory_space<vmem>>, vector<128x8xf32>
      %transpose3A = tpu.transpose %get3A_358, [1, 0] : vector<128x8xf32> -> vector<8x128xf32>
      %slice3A = vector.extract_strided_slice %transpose3A {offsets = [0, 0], sizes = [1, 128], strides = [1, 1]} : vector<8x128xf32> to vector<1x128xf32>
      %sub3A_359 = vector.broadcast %add3A_4 : f32 to vector<1x128xf32>
      %sub3A_360 = arith.subf %slice3A, %sub3A_359 : vector<1x128xf32>
      %slice3A_361 = vector.extract_strided_slice %transpose3A {offsets = [1, 0], sizes = [1, 128], strides = [1, 1]} : vector<8x128xf32> to vector<1x128xf32>
      %sub3A_362 = vector.broadcast %add3A_9 : f32 to vector<1x128xf32>
      %sub3A_363 = arith.subf %slice3A_361, %sub3A_362 : vector<1x128xf32>
      %slice3A_364 = vector.extract_strided_slice %transpose3A {offsets = [2, 0], sizes = [1, 128], strides = [1, 1]} : vector<8x128xf32> to vector<1x128xf32>
      %slice3A_365 = vector.extract_strided_slice %transpose3A {offsets = [3, 0], sizes = [1, 128], strides = [1, 1]} : vector<8x128xf32> to vector<1x128xf32>
      %slice3A_366 = vector.extract_strided_slice %transpose3A {offsets = [4, 0], sizes = [1, 128], strides = [1, 1]} : vector<8x128xf32> to vector<1x128xf32>
      %mul3A_367 = arith.constant 5.000000e-01 : f32
      %mul3A_368 = vector.broadcast %mul3A_367 : f32 to vector<1x128xf32>
      %mul3A_369 = arith.mulf %mul3A_368, %slice3A_364 : vector<1x128xf32>
      %mul3A_370 = arith.mulf %slice3A_364, %sub3A_360 : vector<1x128xf32>
      %mul3A_371 = arith.mulf %slice3A_365, %sub3A_363 : vector<1x128xf32>
      %add3A_372 = arith.addf %mul3A_370, %mul3A_371 : vector<1x128xf32>
      %neg3A = arith.constant 0.000000e+00 : f32
      %neg3A_373 = vector.broadcast %neg3A : f32 to vector<1x128xf32>
      %neg3A_374 = arith.subf %neg3A_373, %add3A_372 : vector<1x128xf32>
      %mul3A_375 = arith.constant 5.000000e-01 : f32
      %mul3A_376 = vector.broadcast %mul3A_375 : f32 to vector<1x128xf32>
      %mul3A_377 = arith.mulf %mul3A_376, %slice3A_366 : vector<1x128xf32>
      %mul3A_378 = arith.mulf %slice3A_366, %sub3A_363 : vector<1x128xf32>
      %mul3A_379 = arith.mulf %slice3A_365, %sub3A_360 : vector<1x128xf32>
      %add3A_380 = arith.addf %mul3A_378, %mul3A_379 : vector<1x128xf32>
      %neg3A_381 = arith.constant 0.000000e+00 : f32
      %neg3A_382 = vector.broadcast %neg3A_381 : f32 to vector<1x128xf32>
      %neg3A_383 = arith.subf %neg3A_382, %add3A_380 : vector<1x128xf32>
      %mul3A_384 = arith.constant 5.000000e-01 : f32
      %mul3A_385 = vector.broadcast %mul3A_384 : f32 to vector<1x128xf32>
      %mul3A_386 = arith.mulf %mul3A_385, %slice3A_364 : vector<1x128xf32>
      %mul3A_387 = arith.mulf %mul3A_386, %sub3A_360 : vector<1x128xf32>
      %mul3A_388 = arith.mulf %mul3A_387, %sub3A_360 : vector<1x128xf32>
      %mul3A_389 = arith.constant 5.000000e-01 : f32
      %mul3A_390 = vector.broadcast %mul3A_389 : f32 to vector<1x128xf32>
      %mul3A_391 = arith.mulf %mul3A_390, %slice3A_366 : vector<1x128xf32>
      %mul3A_392 = arith.mulf %mul3A_391, %sub3A_363 : vector<1x128xf32>
      %mul3A_393 = arith.mulf %mul3A_392, %sub3A_363 : vector<1x128xf32>
      %add3A_394 = arith.addf %mul3A_388, %mul3A_393 : vector<1x128xf32>
      %mul3A_395 = arith.mulf %slice3A_365, %sub3A_360 : vector<1x128xf32>
      %mul3A_396 = arith.mulf %mul3A_395, %sub3A_363 : vector<1x128xf32>
      %add3A_397 = arith.addf %add3A_394, %mul3A_396 : vector<1x128xf32>
      %concatenate3A_398 = tpu.concatenate %mul3A_369, %neg3A_374, %mul3A_377, %neg3A_383, %slice3A_365, %add3A_397 in 0 : vector<1x128xf32>, vector<1x128xf32>, vector<1x128xf32>, vector<1x128xf32>, vector<1x128xf32>, vector<1x128xf32> -> vector<6x128xf32>
      %dot_general3A = arith.constant dense<0.000000e+00> : vector<256x128xf32>
      %dot_general3A_399 = tpu.matmul %concatenate3A, %concatenate3A_398, %dot_general3A {dimension_numbers = #tpu.dot_dimension_numbers<[1], [0], [0], [1], [0, 0, 1, 1], [], []>, transpose_lhs_hint = false} : vector<256x6xf32>, vector<6x128xf32>, vector<256x128xf32> -> vector<256x128xf32>
      %ge3A = arith.constant 0.000000e+00 : f32
      %ge3A_400 = vector.broadcast %ge3A : f32 to vector<256x128xf32>
      %ge3A_401 = arith.cmpf oge, %dot_general3A_399, %ge3A_400 : vector<256x128xf32>
      %neg3A_402 = arith.constant 0.000000e+00 : f32
      %neg3A_403 = vector.broadcast %neg3A_402 : f32 to vector<256x128xf32>
      %neg3A_404 = arith.subf %neg3A_403, %dot_general3A_399 : vector<256x128xf32>
      %exp3A = math.exp %neg3A_404 : vector<256x128xf32>
      %jit3A_405 = arith.constant 0.000000e+00 : f32
      %broadcast_in_dim3A_406 = vector.broadcast %jit3A_405 : f32 to vector<256x128xf32>
      %select_n3A_407 = arith.select %ge3A_401, %exp3A, %broadcast_in_dim3A_406 : vector<256x128xi1>, vector<256x128xf32>
      %add3A_408 = vector.broadcast %multiple_of3A : i32 to vector<1x128xi32>
      %add3A_409 = arith.addi %iota3A_25, %add3A_408 : vector<1x128xi32>
      %lt3A = vector.broadcast %get3A_301 : i32 to vector<1x128xi32>
      %lt3A_410 = arith.cmpi slt, %add3A_409, %lt3A : vector<1x128xi32>
      %slice3A_411 = vector.extract_strided_slice %transpose3A {offsets = [5, 0], sizes = [3, 128], strides = [1, 1]} : vector<8x128xf32> to vector<3x128xf32>
      %jit3A_412 = arith.constant 0.000000e+00 : f32
      %broadcast_in_dim3A_413 = vector.shape_cast %lt3A_410 : vector<1x128xi1> to vector<1x128xi1>
      %broadcast_in_dim3A_414 = vector.broadcast %broadcast_in_dim3A_413 : vector<1x128xi1> to vector<3x128xi1>
      %broadcast_in_dim3A_415 = vector.broadcast %jit3A_412 : f32 to vector<3x128xf32>
      %select_n3A_416 = arith.select %broadcast_in_dim3A_414, %slice3A_411, %broadcast_in_dim3A_415 : vector<3x128xi1>, vector<3x128xf32>
      %dot_general3A_417 = arith.constant dense<0.000000e+00> : vector<3x256xf32>
      %dot_general3A_418 = tpu.matmul %select_n3A_416, %select_n3A_407, %dot_general3A_417 {dimension_numbers = #tpu.dot_dimension_numbers<[1], [1], [0], [0], [0, 0, 1, 0], [], []>, transpose_lhs_hint = false} : vector<3x128xf32>, vector<256x128xf32>, vector<3x256xf32> -> vector<3x256xf32>
      %add3A_419 = arith.addf %while3A_352, %dot_general3A_418 : vector<3x256xf32>
      scf.yield %add3A_419 : vector<3x256xf32>
    }
    %while3A_340 = arith.constant 1 : i32
    %while3A_341 = scf.for %while3A_351 = %while3A_337 to %while3A_333 step %while3A_340 iter_args(%while3A_352 = %while3A_339) -> (vector<3x256xf32>)  : i32 {
      %mul3A_353 = arith.constant 128 : i32
      %mul3A_354 = arith.muli %while3A_351, %mul3A_353 : i32
      %add3A_355 = arith.addi %get3A_298, %mul3A_354 : i32
      %multiple_of3A = tpu.assume_multiple %add3A_355, 8 : i32
      %get3A_356 = arith.index_cast %multiple_of3A : i32 to index
      %get3A_357 = arith.constant 0 : index
      %get3A_358 = vector.load %arg4[%get3A_356, %get3A_357] : memref<6016x8xf32, #tpu.memory_space<vmem>>, vector<128x8xf32>
      %transpose3A = tpu.transpose %get3A_358, [1, 0] : vector<128x8xf32> -> vector<8x128xf32>
      %slice3A = vector.extract_strided_slice %transpose3A {offsets = [0, 0], sizes = [1, 128], strides = [1, 1]} : vector<8x128xf32> to vector<1x128xf32>
      %sub3A_359 = vector.broadcast %add3A_4 : f32 to vector<1x128xf32>
      %sub3A_360 = arith.subf %slice3A, %sub3A_359 : vector<1x128xf32>
      %slice3A_361 = vector.extract_strided_slice %transpose3A {offsets = [1, 0], sizes = [1, 128], strides = [1, 1]} : vector<8x128xf32> to vector<1x128xf32>
      %sub3A_362 = vector.broadcast %add3A_9 : f32 to vector<1x128xf32>
      %sub3A_363 = arith.subf %slice3A_361, %sub3A_362 : vector<1x128xf32>
      %slice3A_364 = vector.extract_strided_slice %transpose3A {offsets = [2, 0], sizes = [1, 128], strides = [1, 1]} : vector<8x128xf32> to vector<1x128xf32>
      %slice3A_365 = vector.extract_strided_slice %transpose3A {offsets = [3, 0], sizes = [1, 128], strides = [1, 1]} : vector<8x128xf32> to vector<1x128xf32>
      %slice3A_366 = vector.extract_strided_slice %transpose3A {offsets = [4, 0], sizes = [1, 128], strides = [1, 1]} : vector<8x128xf32> to vector<1x128xf32>
      %mul3A_367 = arith.constant 5.000000e-01 : f32
      %mul3A_368 = vector.broadcast %mul3A_367 : f32 to vector<1x128xf32>
      %mul3A_369 = arith.mulf %mul3A_368, %slice3A_364 : vector<1x128xf32>
      %mul3A_370 = arith.mulf %slice3A_364, %sub3A_360 : vector<1x128xf32>
      %mul3A_371 = arith.mulf %slice3A_365, %sub3A_363 : vector<1x128xf32>
      %add3A_372 = arith.addf %mul3A_370, %mul3A_371 : vector<1x128xf32>
      %neg3A = arith.constant 0.000000e+00 : f32
      %neg3A_373 = vector.broadcast %neg3A : f32 to vector<1x128xf32>
      %neg3A_374 = arith.subf %neg3A_373, %add3A_372 : vector<1x128xf32>
      %mul3A_375 = arith.constant 5.000000e-01 : f32
      %mul3A_376 = vector.broadcast %mul3A_375 : f32 to vector<1x128xf32>
      %mul3A_377 = arith.mulf %mul3A_376, %slice3A_366 : vector<1x128xf32>
      %mul3A_378 = arith.mulf %slice3A_366, %sub3A_363 : vector<1x128xf32>
      %mul3A_379 = arith.mulf %slice3A_365, %sub3A_360 : vector<1x128xf32>
      %add3A_380 = arith.addf %mul3A_378, %mul3A_379 : vector<1x128xf32>
      %neg3A_381 = arith.constant 0.000000e+00 : f32
      %neg3A_382 = vector.broadcast %neg3A_381 : f32 to vector<1x128xf32>
      %neg3A_383 = arith.subf %neg3A_382, %add3A_380 : vector<1x128xf32>
      %mul3A_384 = arith.constant 5.000000e-01 : f32
      %mul3A_385 = vector.broadcast %mul3A_384 : f32 to vector<1x128xf32>
      %mul3A_386 = arith.mulf %mul3A_385, %slice3A_364 : vector<1x128xf32>
      %mul3A_387 = arith.mulf %mul3A_386, %sub3A_360 : vector<1x128xf32>
      %mul3A_388 = arith.mulf %mul3A_387, %sub3A_360 : vector<1x128xf32>
      %mul3A_389 = arith.constant 5.000000e-01 : f32
      %mul3A_390 = vector.broadcast %mul3A_389 : f32 to vector<1x128xf32>
      %mul3A_391 = arith.mulf %mul3A_390, %slice3A_366 : vector<1x128xf32>
      %mul3A_392 = arith.mulf %mul3A_391, %sub3A_363 : vector<1x128xf32>
      %mul3A_393 = arith.mulf %mul3A_392, %sub3A_363 : vector<1x128xf32>
      %add3A_394 = arith.addf %mul3A_388, %mul3A_393 : vector<1x128xf32>
      %mul3A_395 = arith.mulf %slice3A_365, %sub3A_360 : vector<1x128xf32>
      %mul3A_396 = arith.mulf %mul3A_395, %sub3A_363 : vector<1x128xf32>
      %add3A_397 = arith.addf %add3A_394, %mul3A_396 : vector<1x128xf32>
      %concatenate3A_398 = tpu.concatenate %mul3A_369, %neg3A_374, %mul3A_377, %neg3A_383, %slice3A_365, %add3A_397 in 0 : vector<1x128xf32>, vector<1x128xf32>, vector<1x128xf32>, vector<1x128xf32>, vector<1x128xf32>, vector<1x128xf32> -> vector<6x128xf32>
      %dot_general3A = arith.constant dense<0.000000e+00> : vector<256x128xf32>
      %dot_general3A_399 = tpu.matmul %concatenate3A, %concatenate3A_398, %dot_general3A {dimension_numbers = #tpu.dot_dimension_numbers<[1], [0], [0], [1], [0, 0, 1, 1], [], []>, transpose_lhs_hint = false} : vector<256x6xf32>, vector<6x128xf32>, vector<256x128xf32> -> vector<256x128xf32>
      %ge3A = arith.constant 0.000000e+00 : f32
      %ge3A_400 = vector.broadcast %ge3A : f32 to vector<256x128xf32>
      %ge3A_401 = arith.cmpf oge, %dot_general3A_399, %ge3A_400 : vector<256x128xf32>
      %neg3A_402 = arith.constant 0.000000e+00 : f32
      %neg3A_403 = vector.broadcast %neg3A_402 : f32 to vector<256x128xf32>
      %neg3A_404 = arith.subf %neg3A_403, %dot_general3A_399 : vector<256x128xf32>
      %exp3A = math.exp %neg3A_404 : vector<256x128xf32>
      %jit3A_405 = arith.constant 0.000000e+00 : f32
      %broadcast_in_dim3A_406 = vector.broadcast %jit3A_405 : f32 to vector<256x128xf32>
      %select_n3A_407 = arith.select %ge3A_401, %exp3A, %broadcast_in_dim3A_406 : vector<256x128xi1>, vector<256x128xf32>
      %add3A_408 = vector.broadcast %multiple_of3A : i32 to vector<1x128xi32>
      %add3A_409 = arith.addi %iota3A_25, %add3A_408 : vector<1x128xi32>
      %lt3A = vector.broadcast %get3A_301 : i32 to vector<1x128xi32>
      %lt3A_410 = arith.cmpi slt, %add3A_409, %lt3A : vector<1x128xi32>
      %slice3A_411 = vector.extract_strided_slice %transpose3A {offsets = [5, 0], sizes = [3, 128], strides = [1, 1]} : vector<8x128xf32> to vector<3x128xf32>
      %jit3A_412 = arith.constant 0.000000e+00 : f32
      %broadcast_in_dim3A_413 = vector.shape_cast %lt3A_410 : vector<1x128xi1> to vector<1x128xi1>
      %broadcast_in_dim3A_414 = vector.broadcast %broadcast_in_dim3A_413 : vector<1x128xi1> to vector<3x128xi1>
      %broadcast_in_dim3A_415 = vector.broadcast %jit3A_412 : f32 to vector<3x128xf32>
      %select_n3A_416 = arith.select %broadcast_in_dim3A_414, %slice3A_411, %broadcast_in_dim3A_415 : vector<3x128xi1>, vector<3x128xf32>
      %dot_general3A_417 = arith.constant dense<0.000000e+00> : vector<3x256xf32>
      %dot_general3A_418 = tpu.matmul %select_n3A_416, %select_n3A_407, %dot_general3A_417 {dimension_numbers = #tpu.dot_dimension_numbers<[1], [1], [0], [0], [0, 0, 1, 0], [], []>, transpose_lhs_hint = false} : vector<3x128xf32>, vector<256x128xf32>, vector<3x256xf32> -> vector<3x256xf32>
      %add3A_419 = arith.addf %while3A_352, %dot_general3A_418 : vector<3x256xf32>
      scf.yield %add3A_419 : vector<3x256xf32>
    }
    %jit3A_342 = arith.constant 0.000000e+00 : f32
    %jit3A_343 = arith.constant 1.000000e+00 : f32
    %max3A = vector.broadcast %jit3A_342 : f32 to vector<3x256xf32>
    %max3A_344 = arith.maximumf %max3A, %while3A_341 : vector<3x256xf32>
    %min3A = vector.broadcast %jit3A_343 : f32 to vector<3x256xf32>
    %min3A_345 = arith.minimumf %min3A, %max3A_344 : vector<3x256xf32>
    %reshape3A = vector.shape_cast %min3A_345 : vector<3x256xf32> to vector<1x1x3x16x16xf32>
    %swap3A = arith.constant 0 : index
    %swap3A_346 = arith.constant 0 : index
    %swap3A_347 = arith.constant 0 : index
    %swap3A_348 = arith.constant 0 : index
    %swap3A_349 = arith.constant 0 : index
    %swap3A_350 = vector.load %arg5[%swap3A, %swap3A_346, %swap3A_347, %swap3A_348, %swap3A_349] : memref<1x1x3x16x16xf32, #tpu.memory_space<vmem>>, vector<1x1x3x16x16xf32>
    tpu.vector_store %arg5[%swap3A, %swap3A_346, %swap3A_347, %swap3A_348, %swap3A_349], %reshape3A {strides = array<i32>} : memref<1x1x3x16x16xf32, #tpu.memory_space<vmem>>, vector<1x1x3x16x16xf32>,
    return
  }
  func.func @transform_0(%arg0: i32, %arg1: i32, %arg2: memref<256x7xi32, #tpu.memory_space<smem>>, %arg3: memref<256x7xi32, #tpu.memory_space<smem>>) -> (i32, i32) {
    %c0_i32 = arith.constant 0 : i32
    %c0_i32_0 = arith.constant 0 : i32
    %c0_i32_1 = arith.constant 0 : i32
    return %c0_i32, %c0_i32_0 : i32, i32
  }
  func.func @transform_1(%arg0: i32, %arg1: i32, %arg2: memref<256x7xi32, #tpu.memory_space<smem>>, %arg3: memref<256x7xi32, #tpu.memory_space<smem>>) -> (i32, i32, i32, i32, i32) {
    %c0_i32 = arith.constant 0 : i32
    %c0_i32_0 = arith.constant 0 : i32
    %c0_i32_1 = arith.constant 0 : i32
    %c0_i32_2 = arith.constant 0 : i32
    return %arg0, %arg1, %c0_i32, %c0_i32_0, %c0_i32_1 : i32, i32, i32, i32, i32
  }
}

</mosaic_0001>

<sc_bundles>
// kernel: gather_offload_async_start
scs
__scs_entry_jumppad:
0x0: {  	(pc) =	sbr.rel $0x88, $3  }
0x1: {  	(tag) =	ssettag $0x0;
	lr =	simm.s32 $0x1  }
0x2: {  	[smem:$0x3F9C] =	sst lr;
	_ =	strace $0xD0000000  }
0x3: {  	_ = 	snop  }
0x4: {  	_ = 	snop  }
0x5: {  	_ = 	snop  }
0x6: {  	_ = 	snop  }
0x7: {  	_ = 	snop  }
__scs_overlays_trampoline_lowered:
0x8: {  	[smem:$0x3FAB] =	sst s0  }
0x9: {  	[smem:$0x3FAC] =	sst s1  }
0xa: {  	[smem:$0x3FAD] =	sst s2  }
0xb: {  	[smem:$0x3FAE] =	sst s3  }
0xc: {  	[smem:$0x3FAF] =	sst s4  }
0xd: {  	[smem:$0x3FB0] =	sst s5  }
0xe: {  	[smem:$0x3FB1] =	sst s6  }
0xf: {  	[smem:$0x3FB2] =	sst s7  }
0x10: {  	[smem:$0x3FB3] =	sst s8  }
0x11: {  	[smem:$0x3FB4] =	sst s9;
	s0 =	simm.s32 @!p0 $0x0  }
0x12: {  	s1 =	sld [smem:$0x3F9A];
	s0 =	simm.s32 @p0 $0x1  }
0x13: {  	[smem:$0x3FB5] =	sst s0;
	s0 =	simm.s32 @!p1 $0x0  }
0x14: {  	s2 =	sld [smem:$0x3F99];
	s0 =	simm.s32 @p1 $0x1  }
0x15: {  	[smem:$0x3FB6] =	sst s0;
	s0 =	simm.s32 @!p2 $0x0  }
0x16: {  	s3 =	sld [smem:$0x3FDB];
	s0 =	simm.s32 @p2 $0x1  }
0x17: {  	s4 =	simm.s32 $0x1BF5;
	[smem:$0x3FB8] =	sst s0  }
0x18: {  	s0 =	sld [smem:$0x3F9B];
	_ =	swait.ge [sflag:s4], $0x0  }
0x19: {  	s7 =	sld [smem:$0x3F9C]  }
0x1a: {  	s8 =	sadd.s32 $0xFFFFE003, lr  }
0x1b: {  	s9 =	sadd.s32 $0xFFFFFEF7, lr;
	s5 =	simm.s32 $0xFFFFFFFF;
	p2 =	slt.u32 s8, $0xFFFFF086  }
0x1c: {  	p1 =	slt.u32 s9, $0xF7A;
	s5 =	simm.s32 @!p2 $0x0  }
0x1d: {  	s5 =	simm.s32 @p1 $0x1;
	p0 =	seq.s32 s7, s2  }
0x1e: {  	s7 =	smul.u32 @!p0 $0xF7A, s2;
	p2 =	seq.s32 @!p0 s5, $0x0  }
0x1f: {  	s9 =	smul.u32 $0xF7A, s1;
	s8 =	simm.s32 @!p0 $0x1BF5;
	p2 =	por !p2, p0  }
0x20: {  	[sflag:s8] =	ssyncset.s32 @!p0 $0xFFFFF086;
	s6 =	sadd.s32 @!p0 s3, s7;
	s7 =	simm.s32 @!p0 $0x108  }
0x21: {  	s3 =	sadd.s32 s3, s9;
	s6 =	sadd.s32 @!p0 $0x88, s6;
	s7 =	simm.s32 @p2 $0x1082  }
0x22: {  	[simem:s7], [sflag:s8] =	dma.local @!p0 [hbm:s6], $0xF7A  }
0x23: {  	s9 =	sor.u32 $0xD0000000, s2;
	s6 =	simm.s32 $0x108;
	_ =	swait.ge @!p0 [sflag:s8], $0x0  }
0x24: {  	s3 =	sadd.s32 $0x88, s3;
	s6 =	simm.s32 @!p1 $0x1082;
	[sflag:s4] =	ssyncset.s32 $0xFFFFF086  }
0x25: {  	[simem:s6], [sflag:s4] =	dma.local [hbm:s3], $0xF7A  }
0x26: {  	[smem:$0x3F9C] =	sst s1;
	(tag) =	ssettag s2;
	_ =	strace s9  }
0x27: {  	s1 =	sld [smem:$0x3FAC]  }
0x28: {  	s2 =	sld [smem:$0x3FAD]  }
0x29: {  	s4 =	sld [smem:$0x3FAF]  }
0x2a: {  	p0 =	seq.s32 s5, $0x0;
	s5 =	sld [smem:$0x3FB0]  }
0x2b: {  	s6 =	sld [smem:$0x3FB1]  }
0x2c: {  	s7 =	sld [smem:$0x3FB2]  }
0x2d: {  	s3 =	simm.s32 $0x108;
	s8 =	sld [smem:$0x3FB3]  }
0x2e: {  	s3 =	simm.s32 @!p0 $0x1082;
	s9 =	sld [smem:$0x3FB4]  }
0x2f: {  	lr =	sadd.s32 s0, s3;
	s0 =	sld [smem:$0x3FAB]  }
0x30: {  	s3 =	sld [smem:$0x3FAE]  }
0x31: {  	[smem:$0x3FB7] =	sst s10  }
0x32: {  	s10 =	sld [smem:$0x3FB5];
	_ =	sdelay $0x3  }
0x33: {  	p0 =	seq.s32 s10, $0x1;
	s10 =	sld [smem:$0x3FB7];
	_ =	sdelay $0x3  }
0x34: {  	[smem:$0x3FB7] =	sst s10  }
0x35: {  	s10 =	sld [smem:$0x3FB6];
	_ =	sdelay $0x3  }
0x36: {  	p1 =	seq.s32 s10, $0x1;
	s10 =	sld [smem:$0x3FB7];
	_ =	sdelay $0x3  }
0x37: {  	[smem:$0x3FB7] =	sst s10  }
0x38: {  	s10 =	sld [smem:$0x3FB8]  }
0x39: {  	_ = 	snop;
	(pc) =	sbr.ind lr, $3  }
0x3a: {  	_ = 	snop  }
0x3b: {  	_ = 	snop  }
0x3c: {  	p2 =	seq.s32 s10, $0x1;
	s10 =	sld [smem:$0x3FB7]  }
0x3d: {  	_ =	shalt  }
0x3e: {  	_ =	shalt  }
0x3f: {  	_ =	shalt  }
0x40: {  	_ =	shalt  }
0x41: {  	_ =	shalt  }
0x42: {  	_ =	shalt  }
0x43: {  	_ =	shalt  }
0x44: {  	_ =	shalt  }
0x45: {  	_ =	shalt  }
0x46: {  	_ =	shalt  }
0x47: {  	_ =	shalt  }
0x48: {  	_ =	shalt  }
0x49: {  	_ =	shalt  }
0x4a: {  	_ =	shalt  }
0x4b: {  	_ =	shalt  }
0x4c: {  	_ =	shalt  }
0x4d: {  	_ =	shalt  }
0x4e: {  	_ =	shalt  }
0x4f: {  	_ =	shalt  }
0x50: {  	_ =	shalt  }
0x51: {  	_ =	shalt  }
0x52: {  	_ =	shalt  }
0x53: {  	_ =	shalt  }
0x54: {  	_ =	shalt  }
0x55: {  	_ =	shalt  }
0x56: {  	_ =	shalt  }
0x57: {  	_ =	shalt  }
0x58: {  	_ =	shalt  }
0x59: {  	_ =	shalt  }
0x5a: {  	_ =	shalt  }
0x5b: {  	_ =	shalt  }
0x5c: {  	_ =	shalt  }
0x5d: {  	_ =	shalt  }
0x5e: {  	_ =	shalt  }
0x5f: {  	_ =	shalt  }
0x60: {  	_ =	shalt  }
0x61: {  	_ =	shalt  }
0x62: {  	_ =	shalt  }
0x63: {  	_ =	shalt  }
0x64: {  	_ =	shalt  }
0x65: {  	_ =	shalt  }
0x66: {  	_ =	shalt  }
0x67: {  	_ =	shalt  }
0x68: {  	_ =	shalt  }
0x69: {  	_ =	shalt  }
0x6a: {  	_ =	shalt  }
0x6b: {  	_ =	shalt  }
0x6c: {  	_ =	shalt  }
0x6d: {  	_ =	shalt  }
0x6e: {  	_ =	shalt  }
0x6f: {  	_ =	shalt  }
0x70: {  	_ =	shalt  }
0x71: {  	_ =	shalt  }
0x72: {  	_ =	shalt  }
0x73: {  	_ =	shalt  }
0x74: {  	_ =	shalt  }
0x75: {  	_ =	shalt  }
0x76: {  	_ =	shalt  }
0x77: {  	_ =	shalt  }
0x78: {  	_ =	shalt  }
0x79: {  	_ =	shalt  }
0x7a: {  	_ =	shalt  }
0x7b: {  	_ =	shalt  }
0x7c: {  	_ =	shalt  }
0x7d: {  	_ =	shalt  }
0x7e: {  	_ =	shalt  }
0x7f: {  	_ =	shalt  }
0x80: {  	_ =	shalt  }
0x81: {  	_ =	shalt  }
0x82: {  	_ =	shalt  }
0x83: {  	_ =	shalt  }
0x84: {  	_ =	shalt  }
0x85: {  	_ =	shalt  }
0x86: {  	_ =	shalt  }
0x87: {  	_ =	shalt  }
.Lfunc_end0:
.L_simem_size_0:
called_computation_lowered:
.L_overlay_start_0:
0x88: {  	s2 =	sld [smem:$0x3FD9]  }
0x89: {  	s3 =	sld [smem:$0x3FFE];
	_ =	sdelay $0x1  }
0x8a: {  	s1 =	srdreg.scid  }
0x8b: {  	s0 =	sand.u32 $0x1, s1  }
0x8c: {  	s17 =	sshll.u32 s0, $0xA;
	s2 =	sadd.s32 s3, s2  }
0x8d: {  	s2 =	sadd.s32 s2, s17  }
0x8e: {  	[smem:$0x3FC3] =	sst s2  }
0x8f: {  	_ = 	snop  }
0x90: {  	s2 =	sld [smem:$0x3FD0];
	(tm) =	ssettm $0x1  }
0x91: {  	s18 =	sld [smem:$0x3FFB];
	_ =	sdelay $0x3  }
0x92: {  	_ =	strace s18  }
0x93: {  	s3 =	sld [smem:$0x3FFC];
	_ =	sdelay $0x3  }
0x94: {  	_ =	strace s3  }
0x95: {  	s3 =	sld [smem:$0x3FFD];
	_ =	sdelay $0x3  }
0x96: {  	_ =	strace s3  }
0x97: {  	_ =	strace $0x8FFFFFFF  }
0x98: {  	s19 =	sld [smem:$0x3FDB];
	_ =	sdelay $0x1  }
0x99: {  	s4 =	simm.s32 $_scs_section_size  }
0x9a: {  	s5 =	simm.s32 $_size__tile_overlayer_lowered;
	s6 =	simm.s32 $_tile_overlayer_lowered  }
0x9b: {  	s22 =	simm.s32 $0x1BFF;
	s21 =	sshll.u32 s6, $0x1;
	s3 =	sadd.s32 s4, s19  }
0x9c: {  	s7 =	simm.s32 $0x0;
	s20 =	sshll.u32 s5, $0x1;
	s5 =	sadd.s32 s21, s3  }
0x9d: {  	[timem:s7], [sflag:s22] =	dma.local [hbm:s5], s20  }
0x9e: {  	_ =	swait.ge [sflag:s22], s20  }
0x9f: {  	s4 =	ssub.s32 $0x0, s20;
	[sflag:s22] =	ssyncset.done $0x0  }
0xa0: {  	[sflag:s22] =	ssyncadd.s32 s4;
	_ =	sdelay $0x1  }
0xa1: {  	s23 =	simm.s32 $0x1B8B  }
0xa2: {  	_ =	swait.ge [sflag:s23], $0x1  }
0xa3: {  	[sflag:s23] =	ssyncset.done $0x0  }
0xa4: {  	s25 =	simm.s32 $0x1B8E;
	s24 =	sld [smem:$0x3FFE];
	[sflag:s23] =	ssyncadd.s32 $0xFFFFFFFF  }
0xa5: {  	s26 =	simm.s32 $execute0_lowered;
	[smem:$0x3FD2] =	sst s25  }
0xa6: {  	s5 =	sshll.u32 s26, $0x1;
	_ =	strace $0x80000046;
	[dreg:$0x1] =	wrdreg $0xFFFFFFFF  }
0xa7: {  	s28 =	simm.s32 $_size_execute0_lowered;
	s3 =	sadd.s32 s3, s5;
	[dreg:$0x0] =	wrdreg $0x0  }
0xa8: {  	s5 =	sshll.u32 s28, $0x1;
	[dreg:$0x2] =	wrdreg s3  }
0xa9: {  	[dreg:$0x3] =	wrdreg s5  }
0xaa: {  	[dreg:$0x4] =	wrdreg $0xC0  }
0xab: {  	_ =	task [dreg:s7], $0x5FFFF  }
0xac: {  	[dreg:$0x1] =	wrdreg $0xFFFFFFFF  }
0xad: {  	[dreg:$0x0] =	wrdreg $0x60  }
0xae: {  	[dreg:$0x2] =	wrdreg s2  }
0xaf: {  	[dreg:$0x3] =	wrdreg s24  }
0xb0: {  	[dreg:$0x4] =	wrdreg $0x9  }
0xb1: {  	_ =	task.clear_ibuf [dreg:s7], $0x5FFFF;
	_ =	strace $0x90000046  }
0xb2: {  	s29 =	simm.s32 $0x9;
	_ =	strace $0x80000048  }
0xb3: {  	_ =	swait.ge [sflag:s29], $0x1  }
0xb4: {  	[sflag:s29] =	ssyncadd.s32 $0xFFFFFFFF  }
0xb5: {  	_ =	strace $0x90000048  }
0xb6: {  	_ =	sfence  }
0xb7: {  	s30 =	sld [smem:$0x0];
	_ =	sdelay $0x2  }
0xb8: {  	s31 =	sshll.u32 s1, $0xD;
	s1 =	sshrl.u32 s1, $0x2  }
0xb9: {  	s3 =	sand.u32 $0x4000, s31;
	s1 =	sadd.s32 s1, s30  }
0xba: {  	s0 =	sor.u32 s3, s0;
	s1 =	sshll.u32 s1, $0x11  }
0xbb: {  	s0 =	sor.u32 s1, s0  }
0xbc: {  	s0 =	sadd.s32 $0x8F2B, s0  }
0xbd: {  	[sflag:s0] =	ssyncadd.remote.s32 $0x1  }
0xbe: {  	_ =	sfence.sel $0xFFFF  }
0xbf: {  	[dreg:$0x0] =	wrdreg $0xFFFFFFFF;
	(pc) =	sbr.abs _section_cstart, $3  }
0xc0: {  	[dreg:$0x1] =	wrdreg $0xFFFFFFFF  }
0xc1: {  	_ =	task.clear_ibuf [dreg:s7], $0x2FFFF;
	_ =	strace $0x9FFFFFFF  }
0xc2: {  	(tm) =	ssettm $0x7FFFFFFF  }
0xc3: {  	_ =	shalt  }
tec
execute0_lowered:
.L_overlay_start_1:
0x0: {  	(tag) =	ssettag $0x1  }
0x1: {  	s1 =	srdreg.scid;
	s2 =	rddreg [dreg:$0x0]  }
0x2: {  	s0 =	stileid.u32;
	s5 =	rddreg [dreg:$0x1];
	s6 =	simm.s32 $0x1  }
0x3: {  	s9 =	simm.s32 $0x1;
	s10 =	simm.s32 $0x3;
	s1 =	sshll.u32 s1, $0x6  }
0x4: {  	s13 =	simm.s32 $0x0;
	s3 =	sshll.u32 s0, $0x7;
	s4 =	sand.u32 $0x40, s1  }
0x5: {  	s12 =	simm.s32 $0x0;
	s1 =	rddreg [dreg:$0x2];
	s3 =	sor.u32 s3, s4  }
0x6: {  	_ =	strace $0x80000047;
	s4 =	sadd.s32 $0x200, s5;
	s8 =	ssub.s32 $0x1000, s3  }
.Ltmp0:
0x7: {  	s5 =	sadd.s32 $0x400, s5;
	s7 =	sand.u32 $0x7C0, s8;
	(pc) =	sbr.rel .LBB2_1-.Ltmp0, $4  }
0x8: {  	[sflag:s6] =	ssyncpa.u1 $0x0;
	s11 =	smov.u32 s3;
	p0 =	sne.s32 s7, $0x0  }
0x9: {  	s8 =	sshrl.u32 s8, $0xB;
	s7 =	simm.s32 $0x2;
	s9 =	simm.s32 @!p0 $0x0  }
0xa: {  	[sflag:s7] =	ssyncpa.u1 $0x0;
	p0 =	por $0x0, $0x0;
	s8 =	sadd.s32 s9, s8  }
0xb: {  	vm0 =	vmmov $0xffff;
	[sflag:s10] =	ssyncpa.u1 $0x0;
	s10 =	simm.s32 $0x0;
	s9 =	sadd.s32 $0x1, s8  }
.LBB2_4:
0xc: {  	v2 =	vnsel vm1, $0x0, v2  }
0xd: {  	vm1 =	vgt.s32 v0, $0x0;
	v2 =	vmin.u32 v2, $0xFFF  }
0xe: {  	v0 =	vnsel vm1, $0x0, v0  }
0xf: {  	v0 =	vmin.u32 v0, $0xFFF  }
0x10: {  	[tilespmem:s15], [sflag:$0x1] =	stream.indirect_vreg.gather [hbm4b:s2+s10], $0x1, v1, vm0, $0x4038;
	[tilespmem:$0x100] =	vst v63  }
0x11: {  	(ifvalue) =	ssetifvalue $0x7FFFFFFF  }
0x12: {  	[tilespmem:s16], [sflag:$0x1] =	stream.indirect_vreg.gather [hbm4b:s2+s10], $0x1, v2, vm0, $0x4038;
	[tilespmem:$0x100] =	vst v63  }
0x13: {  	s29 =	sadd.s32 $0x10, s16;
	(ifvalue) =	ssetifvalue $0x7FFFFFFF  }
0x14: {  	[tilespmem:s29], [sflag:$0x1] =	stream.indirect_vreg.gather [hbm4b:s2+s10], $0x1, v0, vm0, $0x4038;
	[tilespmem:$0x100] =	vst v63  }
0x15: {  	_ =	swait.ge [sflag:s6], $0x40  }
0x16: {  	s30 =	sshrl.u32 s13, $0x3;
	[sflag:s6] =	ssyncset.done $0x0  }
0x17: {  	s31 =	sand.u32 $0x7, s13;
	s15 =	sadd.s32 s5, s30;
	[sflag:s6] =	ssyncadd.s32 $0xFFFFFFC0  }
0x18: {  	[hbm4b:s15+s31] =	stream.linear.scatter [tilespmem:s14], [sflag:$0x3], $0x40, $0x38;
	[tilespmem:$0x100] =	vst v63  }
.LBB2_5:
0x19: {  	s15 =	sadd.s32 $0x800, s11  }
0x1a: {  	p2 =	sgt.s32 s15, $0xFFF  }
0x1b: {  	s15 =	smov.u32 @p2 s3;
	p2 =	sne.s32 s12, s9  }
.Ltmp1:
0x1c: {  	p1 =	slt.u32 s12, $0x2;
	(pc) =	sbr.rel @!p2 .LBB2_6-.Ltmp1, $4  }
0x1d: {  	s14 =	simm.s32 @!p1 $0x3  }
0x1e: {  	s16 =	sadd.s32 $0x1, s12;
	_ =	swait.ge @!p1 [sflag:s14], $0x40  }
0x1f: {  	s13 =	smov.u32 s11;
	p0 =	por !p0, !p0;
	[sflag:s14] =	ssyncset.done @!p1 $0x0  }
0x20: {  	s12 =	smov.u32 s16;
	s11 =	smov.u32 s15;
	[sflag:s14] =	ssyncadd.s32 @!p1 $0xFFFFFFC0  }
.LBB2_1:
0x21: {  	p1 =	sge.u32 s12, s8  }
0x22: {  	s14 =	sxor.u32 @!p1 $0xFFFFFFFF, s12  }
0x23: {  	s31 =	sadd.s32 $0xFFFFFFFF, s12;
	s15 =	sshrl.u32 @!p1 s11, $0x3;
	s14 =	sshll.u32 @!p1 s14, $0x6  }
0x24: {  	s16 =	sand.u32 @!p1 $0x7, s11;
	s15 =	sadd.s32 @!p1 s4, s15;
	s14 =	sand.u32 @!p1 $0x40, s14  }
0x25: {  	[tilespmem:s14], [sflag:$0x2] =	stream.linear.gather @!p1 [hbm4b:s15+s16], $0x40, $0x38;
	[tilespmem:$0x100] =	vst v63  }
0x26: {  	p1 =	sge.u32 s31, s8  }
.Ltmp2:
0x27: {  	_ = 	snop;
	(pc) =	sbr.rel @p1 .LBB2_5-.Ltmp2, $1  }
0x28: {  	_ =	sdelay $0x3  }
0x29: {  	s14 =	simm.s32 $0x1  }
0x2a: {  	_ =	swait.ge [sflag:s7], $0x40;
	s14 =	simm.s32 @!p0 $0x0  }
0x2b: {  	[sflag:s7] =	ssyncset.done $0x0;
	s14 =	sshll.u32 s14, $0x6  }
0x2c: {  	[sflag:s7] =	ssyncadd.s32 $0xFFFFFFC0;
	(ifvalue) =	ssetifvalue $0x7FFFFFFF;
	v0 =	vld.msk [tilespmem:s14+$0x0 ss:$0x1], $0xffff;
	_ =	sdelay $0x4  }
0x2d: {  	s15 =	sadd.s32 $0x10, s14;
	vm1 =	vgt.s32 v0, $0x0  }
0x2e: {  	v2 =	vld.msk [tilespmem:s15+$0x0 ss:$0x1], $0xffff;
	v1 =	vnsel vm1, $0x0, v0  }
0x2f: {  	v1 =	vmin.u32 v1, $0xFFF;
	_ =	sdelay $0x1  }
0x30: {  	s16 =	sshll.u32 s12, $0x6;
	s18 =	simm.s32 $0x20  }
0x31: {  	s16 =	sand.u32 $0x40, s16;
	s17 =	sadd.s32 $0x10, s15;
	s15 =	sor.u32 $0x80, s14  }
0x32: {  	s14 =	sor.u32 $0x80, s16;
	s16 =	sadd.s32 $0x10, s15;
	v0 =	vld.msk [tilespmem:s17+$0x0 ss:$0x1], $0xffff;
	vm1 =	vgt.s32 v2, $0x0;
	(ifvalue) =	ssetifvalue $0x7FFFFFFF  }
.LBB2_3:
0x33: {  	[tilespmem:s15], [sflag:$0x1] =	stream.indirect_vreg.gather [hbm4b:s2+s10], $0x1, v1, vm0, $0x4038;
	[tilespmem:$0x100] =	vst v63  }
0x34: {  	s18 =	sadd.s32 $0x10, s18  }
0x35: {  	v2 =	vnsel vm1, $0x0, v2;
	p1 =	slt.u32 s18, $0x30  }
.Ltmp3:
0x36: {  	s15 =	smov.u32 s16;
	v1 =	vmin.u32 v2, $0xFFF;
	(pc) =	sbr.rel @p1 .LBB2_3-.Ltmp3, $3  }
0x37: {  	_ =	sdelay $0x1  }
0x38: {  	s17 =	sadd.s32 $0x10, s17  }
0x39: {  	vm1 =	vgt.s32 v0, $0x0;
	s16 =	sadd.s32 $0x10, s16;
	v2 =	vmov v0;
	(ifvalue) =	ssetifvalue $0x7FFFFFFF;
	v0 =	vld.msk [tilespmem:s17+$0x0 ss:$0x1], $0xffff  }
.Ltmp4:
0x3a: {  	_ = 	snop;
	(pc) =	sbr.rel .LBB2_4-.Ltmp4, $1  }
0x3b: {  	_ =	sdelay $0x3  }
.LBB2_6:
0x3c: {  	_ =	sfence.sel $0x180000  }
0x3d: {  	s2 =	simm.s32 $0x2;
	[bflag:$0x0] =	sbarrier.arrive $0xFFFF  }
0x3e: {  	s30 =	simm.s32 $0x3;
	[sflag:s2] =	ssyncpa.u1 $0x1  }
0x3f: {  	s31 =	simm.s32 $0x1;
	[sflag:s30] =	ssyncpa.u1 $0x1  }
0x40: {  	[sflag:s31] =	ssyncpa.u1 $0x1  }
0x41: {  	p0 =	sne.s32 s0, $0x0;
	_ =	strace $0x90000047  }
0x42: {  	s0 =	sadd.s32 @!p0 $0x100000, s1;
	[bflag:$0x2] =	sbarrier.arrive $0xFFFF  }
0x43: {  	[sflag:s0] =	ssyncadd.tile.s32 @!p0 $0x1;
	_ =	shalt  }
.Lfunc_end2:
_tile_overlayer_lowered:
.L_overlay_start_2:
0x44: {  	(tag) =	ssettag $0x2  }
0x45: {  	s0 =	rddreg [dreg:$0x0];
	s2 =	stileid.u32  }
0x46: {  	s1 =	rddreg [dreg:$0x1];
	p0 =	sne.s32 s2, $0x0  }
0x47: {  	s3 =	rddreg [dreg:$0x2];
	[bflag:$0x3] =	sbarrier.arrive $0xFFFF;
	s2 =	simm.s32 @!p0 $0x1C01  }
0x48: {  	[timem:s3], [sflag:s2] =	dma.local @!p0 [hbm:s0], s1  }
0x49: {  	s0 =	simm.s32 @!p0 $0x1  }
0x4a: {  	_ =	swait.ge @!p0 [sflag:s0], s1  }
0x4b: {  	s1 =	ssub.s32 @!p0 $0x0, s1;
	[sflag:s0] =	ssyncset.done @!p0 $0x0  }
0x4c: {  	[sflag:s0] =	ssyncadd.s32 @!p0 s1  }
0x4d: {  	[bflag:$0x3] =	sbarrier.arrive $0xFFFF  }
0x4e: {  	_ =	shalt  }

</sc_bundles>
